<compile_context>
chip_gen: v7x
topology: tpu7x:2x2x1
jax: 0.10.2.dev20260603
libtpu: 0.0.44.dev20260713+nightly
codegen_flags: <defaults>
</compile_context>

<pallas_src>
import functools

import jax
import jax.numpy as jnp
from jax import lax
from jax.experimental import pallas as pl
from jax.experimental.pallas import tpu as pltpu
from jax.experimental.pallas import tpu_sc as plsc

CODEBOOK_SIZE = 512
CODE_DIM = 32
N_TOKENS = 16 * 1024
BT = 4096
NB = N_TOKENS // BT

_NC, _NS = 2, 16
_NW = _NC * _NS
_B_PER_W = N_TOKENS // _NW

_PAD_W = 128
_LANES = 16


def _split3(x):
    hi = x.astype(jnp.bfloat16)
    r = x - hi.astype(jnp.float32)
    mid = r.astype(jnp.bfloat16)
    lo = (r - mid.astype(jnp.float32)).astype(jnp.bfloat16)
    return hi, mid, lo


def _argmin_body(z_ref, cb_ref, out_ref, cbp_ref, c6_ref, cbn_ref):
    @pl.when(pl.program_id(0) == 0)
    def _():
        cb = cb_ref[...]
        cbp_ref[...] = jnp.concatenate(
            [cb, jnp.zeros((CODEBOOK_SIZE, _PAD_W - CODE_DIM), jnp.float32)],
            axis=1)
        cbn_ref[...] = jnp.sum(cb * cb, axis=1, keepdims=True)
        c_hi, c_mid, c_lo = _split3(-2.0 * cb)
        c6_ref[...] = jnp.concatenate(
            [c_hi, c_hi, c_mid, c_mid, c_hi, c_lo], axis=1)

    zb = z_ref[...]
    z_hi, z_mid, z_lo = _split3(zb.T)
    z6 = jnp.concatenate([z_hi, z_mid, z_hi, z_mid, z_lo, z_hi], axis=0)
    dots = jnp.dot(c6_ref[...], z6, preferred_element_type=jnp.float32)
    scores = cbn_ref[...] + dots
    idx = jnp.argmin(scores, axis=0).astype(jnp.int32)
    out_ref[0, 0, :] = idx


def _tc_argmin(zf, cb):
    idx, cb_pad = pl.pallas_call(
        _argmin_body,
        grid=(NB,),
        in_specs=[
            pl.BlockSpec((BT, CODE_DIM), lambda i: (i, 0)),
            pl.BlockSpec((CODEBOOK_SIZE, CODE_DIM), lambda i: (0, 0)),
        ],
        out_specs=[
            pl.BlockSpec((1, 1, BT), lambda i: (i, 0, 0)),
            pl.BlockSpec((CODEBOOK_SIZE, _PAD_W), lambda i: (0, 0)),
        ],
        out_shape=[
            jax.ShapeDtypeStruct((NB, 1, BT), jnp.int32),
            jax.ShapeDtypeStruct((CODEBOOK_SIZE, _PAD_W), jnp.float32),
        ],
        scratch_shapes=[
            pltpu.VMEM((CODEBOOK_SIZE, 6 * CODE_DIM), jnp.bfloat16),
            pltpu.VMEM((CODEBOOK_SIZE, 1), jnp.float32),
        ],
    )(zf, cb)
    return idx.reshape(N_TOKENS), cb_pad


_N_ST = 4
_CH = _B_PER_W // _N_ST


@functools.partial(
    pl.kernel,
    mesh=plsc.VectorSubcoreMesh(core_axis_name="c", subcore_axis_name="s"),
    out_type=jax.ShapeDtypeStruct((N_TOKENS * CODE_DIM,), jnp.float32),
    scratch_types=(
        [pltpu.VMEM((_CH,), jnp.int32) for _ in range(_N_ST)]
        + [pltpu.VMEM((_CH, _PAD_W), jnp.float32) for _ in range(_N_ST)]
        + [pltpu.VMEM((_CH * CODE_DIM,), jnp.float32) for _ in range(_N_ST)]
        + [pltpu.SemaphoreType.DMA for _ in range(_N_ST)]
        + [pltpu.SemaphoreType.DMA]
    ),
)
def _sc_gather(cb_hbm, idx_hbm, out_hbm, *scratch):
    idx_v = scratch[:_N_ST]
    rows_v = scratch[_N_ST:2 * _N_ST]
    comp_v = scratch[2 * _N_ST:3 * _N_ST]
    gsem = scratch[3 * _N_ST:4 * _N_ST]
    wsem = scratch[4 * _N_ST]
    wid = lax.axis_index("s") * _NC + lax.axis_index("c")
    base = wid * _B_PER_W

    gathers = []
    for s in range(_N_ST):
        pltpu.sync_copy(idx_hbm.at[pl.ds(base + s * _CH, _CH)], idx_v[s])
        gathers.append(
            pltpu.async_copy(cb_hbm.at[idx_v[s]], rows_v[s], gsem[s]))

    writes = []
    for s in range(_N_ST):
        gathers[s].wait()

        @pl.loop(0, _CH, step=4)
        def _(r0, s=s):
            for u in range(4):
                r = r0 + u
                comp_v[s].at[pl.ds(r * CODE_DIM, _LANES)][...] = (
                    rows_v[s].at[r, pl.ds(0, _LANES)][...])
                comp_v[s].at[pl.ds(r * CODE_DIM + _LANES, _LANES)][...] = (
                    rows_v[s].at[r, pl.ds(_LANES, _LANES)][...])

        writes.append(pltpu.async_copy(
            comp_v[s],
            out_hbm.at[pl.ds((base + s * _CH) * CODE_DIM, _CH * CODE_DIM)],
            wsem))
    for w in writes:
        w.wait()


def kernel(z, codebook):
    zf = z.reshape(N_TOKENS, CODE_DIM)
    idx, cb_pad = _tc_argmin(zf, codebook)
    zq = _sc_gather(cb_pad, idx)
    return zq.reshape(z.shape)

# --- scband reference (transcript-rebuilt; emitter-appended) ---
"""Pipeline reference for scband-vector-quantizer-84911503441993 (READ-ONLY COPY).

The authoritative reference and input builder live on the scoring server;
editing this copy changes nothing except your own understanding.
"""

import jax, jax.numpy as jnp
import numpy as np

CODEBOOK_SIZE = 512
CODE_DIM = 32

def setup_inputs(seed: int = 0) -> dict:
    key = jax.random.key(seed)
    k1, k2 = jax.random.split(key)
    z = jax.random.normal(k1, (16, 1024, CODE_DIM), dtype=jnp.float32)
    codebook = jax.random.normal(k2, (CODEBOOK_SIZE, CODE_DIM), dtype=jnp.float32)
    return {"z": z, "codebook": codebook}

def reference(z, codebook):
    # dist[b, t, k] = sum_d (z[b,t,d] - codebook[k,d])^2  (materialized broadcast, faithful to torch)
    diff = z[:, :, None, :] - codebook[None, None, :, :]
    dist = (diff ** 2).sum(-1)
    indices = jnp.argmin(dist, axis=-1)
    z_q = jnp.take(codebook, indices, axis=0)
    return z_q

if __name__ == "__main__":
    import jax
    _d = setup_inputs()
    print(jax.jit(kernel)(*tuple(_d.values())))

</pallas_src>

<mosaic_0001>
#map = affine_map<(d0, d1) -> (0, 0)>
#map1 = affine_map<(d0, d1) -> (0)>
module attributes {stable_mosaic.version = 14 : i64} {
  func.func @_sc_gather(%arg0: i32, %arg1: i32, %arg2: memref<512x128xf32, #tpu.memory_space<hbm>>, %arg3: memref<16384xi32, #tpu.memory_space<hbm>>, %arg4: memref<524288xf32, #tpu.memory_space<hbm>>, %arg5: memref<128xi32, #tpu.memory_space<vmem>>, %arg6: memref<128xi32, #tpu.memory_space<vmem>>, %arg7: memref<128xi32, #tpu.memory_space<vmem>>, %arg8: memref<128xi32, #tpu.memory_space<vmem>>, %arg9: memref<128x128xf32, #tpu.memory_space<vmem>>, %arg10: memref<128x128xf32, #tpu.memory_space<vmem>>, %arg11: memref<128x128xf32, #tpu.memory_space<vmem>>, %arg12: memref<128x128xf32, #tpu.memory_space<vmem>>, %arg13: memref<4096xf32, #tpu.memory_space<vmem>>, %arg14: memref<4096xf32, #tpu.memory_space<vmem>>, %arg15: memref<4096xf32, #tpu.memory_space<vmem>>, %arg16: memref<4096xf32, #tpu.memory_space<vmem>>, %arg17: memref<!tpu.dma_semaphore, #tpu.memory_space<semaphore_mem>>, %arg18: memref<!tpu.dma_semaphore, #tpu.memory_space<semaphore_mem>>, %arg19: memref<!tpu.dma_semaphore, #tpu.memory_space<semaphore_mem>>, %arg20: memref<!tpu.dma_semaphore, #tpu.memory_space<semaphore_mem>>, %arg21: memref<!tpu.dma_semaphore, #tpu.memory_space<semaphore_mem>>) attributes {dimension_semantics = [#tpu.dimension_semantics<core_parallel>, #tpu.dimension_semantics<subcore_parallel>], iteration_bounds = array<i64: 2, 16>, scalar_prefetch = 0 : i64, scratch_operands = 17 : i64, tpu.core_type = #tpu.core_type<sc_vector_subcore>, window_params = [{transform_indices = #map}, {transform_indices = #map1}, {transform_indices = #map1}]} {
    %mul3A = arith.constant 2 : i32
    %mul3A_0 = arith.muli %arg1, %mul3A : i32
    %add3A = arith.addi %mul3A_0, %arg0 : i32
    %mul3A_1 = arith.constant 512 : i32
    %mul3A_2 = arith.muli %add3A, %mul3A_1 : i32
    %add3A_3 = arith.constant 0 : i32
    %add3A_4 = arith.addi %mul3A_2, %add3A_3 : i32
    "tpu.region"() ({
      %run_scoped3A = tpu.sem_alloc : memref<!tpu.dma_semaphore, #tpu.memory_space<semaphore_mem>>
      %dma_start3A_84 = tpu.memref_slice %arg3[%add3A_4] : memref<16384xi32, #tpu.memory_space<hbm>> -> memref<128xi32, #tpu.memory_space<hbm>>
      %dma_start3A_85 = tpu.memref_slice %arg3[%add3A_4] : memref<16384xi32, #tpu.memory_space<hbm>> -> memref<128xi32, #tpu.memory_space<hbm>>
      tpu.enqueue_dma source(%dma_start3A_85 : memref<128xi32, #tpu.memory_space<hbm>>) target(%arg5 : memref<128xi32, #tpu.memory_space<vmem>>) target_semaphore(%run_scoped3A : memref<!tpu.dma_semaphore, #tpu.memory_space<semaphore_mem>>)
      %dma_wait3A_86 = tpu.memref_slice %arg3[%add3A_4] : memref<16384xi32, #tpu.memory_space<hbm>> -> memref<128xi32, #tpu.memory_space<hbm>>
      %dma_wait3A_87 = tpu.memref_slice %arg3[%add3A_4] : memref<16384xi32, #tpu.memory_space<hbm>> -> memref<128xi32, #tpu.memory_space<hbm>>
      tpu.wait_dma2 semaphore(%run_scoped3A : memref<!tpu.dma_semaphore, #tpu.memory_space<semaphore_mem>>) src(%dma_wait3A_87 : memref<128xi32, #tpu.memory_space<hbm>>) dst(%arg5 : memref<128xi32, #tpu.memory_space<vmem>>)
      tpu.yield
    }) : () -> ()
    %dma_start3A = arith.constant 0 : i32
    %dma_start3A_5 = arith.constant 0 : i32
    %dma_start3A_6 = tpu.memref_slice %arg2[%dma_start3A, %dma_start3A_5] : memref<512x128xf32, #tpu.memory_space<hbm>> -> memref<512x128xf32, #tpu.memory_space<hbm>>
    tpu.enqueue_indirect_dma source(%dma_start3A_6 : memref<512x128xf32, #tpu.memory_space<hbm>>) target(%arg9 : memref<128x128xf32, #tpu.memory_space<vmem>>) offsets(%arg5 : memref<128xi32, #tpu.memory_space<vmem>>) semaphore(%arg17 : memref<!tpu.dma_semaphore, #tpu.memory_space<semaphore_mem>>)
    %add3A_7 = arith.constant 128 : i32
    %add3A_8 = arith.addi %mul3A_2, %add3A_7 : i32
    "tpu.region"() ({
      %run_scoped3A = tpu.sem_alloc : memref<!tpu.dma_semaphore, #tpu.memory_space<semaphore_mem>>
      %dma_start3A_84 = tpu.memref_slice %arg3[%add3A_8] : memref<16384xi32, #tpu.memory_space<hbm>> -> memref<128xi32, #tpu.memory_space<hbm>>
      %dma_start3A_85 = tpu.memref_slice %arg3[%add3A_8] : memref<16384xi32, #tpu.memory_space<hbm>> -> memref<128xi32, #tpu.memory_space<hbm>>
      tpu.enqueue_dma source(%dma_start3A_85 : memref<128xi32, #tpu.memory_space<hbm>>) target(%arg6 : memref<128xi32, #tpu.memory_space<vmem>>) target_semaphore(%run_scoped3A : memref<!tpu.dma_semaphore, #tpu.memory_space<semaphore_mem>>)
      %dma_wait3A_86 = tpu.memref_slice %arg3[%add3A_8] : memref<16384xi32, #tpu.memory_space<hbm>> -> memref<128xi32, #tpu.memory_space<hbm>>
      %dma_wait3A_87 = tpu.memref_slice %arg3[%add3A_8] : memref<16384xi32, #tpu.memory_space<hbm>> -> memref<128xi32, #tpu.memory_space<hbm>>
      tpu.wait_dma2 semaphore(%run_scoped3A : memref<!tpu.dma_semaphore, #tpu.memory_space<semaphore_mem>>) src(%dma_wait3A_87 : memref<128xi32, #tpu.memory_space<hbm>>) dst(%arg6 : memref<128xi32, #tpu.memory_space<vmem>>)
      tpu.yield
    }) : () -> ()
    %dma_start3A_9 = arith.constant 0 : i32
    %dma_start3A_10 = arith.constant 0 : i32
    %dma_start3A_11 = tpu.memref_slice %arg2[%dma_start3A_9, %dma_start3A_10] : memref<512x128xf32, #tpu.memory_space<hbm>> -> memref<512x128xf32, #tpu.memory_space<hbm>>
    tpu.enqueue_indirect_dma source(%dma_start3A_11 : memref<512x128xf32, #tpu.memory_space<hbm>>) target(%arg10 : memref<128x128xf32, #tpu.memory_space<vmem>>) offsets(%arg6 : memref<128xi32, #tpu.memory_space<vmem>>) semaphore(%arg18 : memref<!tpu.dma_semaphore, #tpu.memory_space<semaphore_mem>>)
    %add3A_12 = arith.constant 256 : i32
    %add3A_13 = arith.addi %mul3A_2, %add3A_12 : i32
    "tpu.region"() ({
      %run_scoped3A = tpu.sem_alloc : memref<!tpu.dma_semaphore, #tpu.memory_space<semaphore_mem>>
      %dma_start3A_84 = tpu.memref_slice %arg3[%add3A_13] : memref<16384xi32, #tpu.memory_space<hbm>> -> memref<128xi32, #tpu.memory_space<hbm>>
      %dma_start3A_85 = tpu.memref_slice %arg3[%add3A_13] : memref<16384xi32, #tpu.memory_space<hbm>> -> memref<128xi32, #tpu.memory_space<hbm>>
      tpu.enqueue_dma source(%dma_start3A_85 : memref<128xi32, #tpu.memory_space<hbm>>) target(%arg7 : memref<128xi32, #tpu.memory_space<vmem>>) target_semaphore(%run_scoped3A : memref<!tpu.dma_semaphore, #tpu.memory_space<semaphore_mem>>)
      %dma_wait3A_86 = tpu.memref_slice %arg3[%add3A_13] : memref<16384xi32, #tpu.memory_space<hbm>> -> memref<128xi32, #tpu.memory_space<hbm>>
      %dma_wait3A_87 = tpu.memref_slice %arg3[%add3A_13] : memref<16384xi32, #tpu.memory_space<hbm>> -> memref<128xi32, #tpu.memory_space<hbm>>
      tpu.wait_dma2 semaphore(%run_scoped3A : memref<!tpu.dma_semaphore, #tpu.memory_space<semaphore_mem>>) src(%dma_wait3A_87 : memref<128xi32, #tpu.memory_space<hbm>>) dst(%arg7 : memref<128xi32, #tpu.memory_space<vmem>>)
      tpu.yield
    }) : () -> ()
    %dma_start3A_14 = arith.constant 0 : i32
    %dma_start3A_15 = arith.constant 0 : i32
    %dma_start3A_16 = tpu.memref_slice %arg2[%dma_start3A_14, %dma_start3A_15] : memref<512x128xf32, #tpu.memory_space<hbm>> -> memref<512x128xf32, #tpu.memory_space<hbm>>
    tpu.enqueue_indirect_dma source(%dma_start3A_16 : memref<512x128xf32, #tpu.memory_space<hbm>>) target(%arg11 : memref<128x128xf32, #tpu.memory_space<vmem>>) offsets(%arg7 : memref<128xi32, #tpu.memory_space<vmem>>) semaphore(%arg19 : memref<!tpu.dma_semaphore, #tpu.memory_space<semaphore_mem>>)
    %add3A_17 = arith.constant 384 : i32
    %add3A_18 = arith.addi %mul3A_2, %add3A_17 : i32
    "tpu.region"() ({
      %run_scoped3A = tpu.sem_alloc : memref<!tpu.dma_semaphore, #tpu.memory_space<semaphore_mem>>
      %dma_start3A_84 = tpu.memref_slice %arg3[%add3A_18] : memref<16384xi32, #tpu.memory_space<hbm>> -> memref<128xi32, #tpu.memory_space<hbm>>
      %dma_start3A_85 = tpu.memref_slice %arg3[%add3A_18] : memref<16384xi32, #tpu.memory_space<hbm>> -> memref<128xi32, #tpu.memory_space<hbm>>
      tpu.enqueue_dma source(%dma_start3A_85 : memref<128xi32, #tpu.memory_space<hbm>>) target(%arg8 : memref<128xi32, #tpu.memory_space<vmem>>) target_semaphore(%run_scoped3A : memref<!tpu.dma_semaphore, #tpu.memory_space<semaphore_mem>>)
      %dma_wait3A_86 = tpu.memref_slice %arg3[%add3A_18] : memref<16384xi32, #tpu.memory_space<hbm>> -> memref<128xi32, #tpu.memory_space<hbm>>
      %dma_wait3A_87 = tpu.memref_slice %arg3[%add3A_18] : memref<16384xi32, #tpu.memory_space<hbm>> -> memref<128xi32, #tpu.memory_space<hbm>>
      tpu.wait_dma2 semaphore(%run_scoped3A : memref<!tpu.dma_semaphore, #tpu.memory_space<semaphore_mem>>) src(%dma_wait3A_87 : memref<128xi32, #tpu.memory_space<hbm>>) dst(%arg8 : memref<128xi32, #tpu.memory_space<vmem>>)
      tpu.yield
    }) : () -> ()
    %dma_start3A_19 = arith.constant 0 : i32
    %dma_start3A_20 = arith.constant 0 : i32
    %dma_start3A_21 = tpu.memref_slice %arg2[%dma_start3A_19, %dma_start3A_20] : memref<512x128xf32, #tpu.memory_space<hbm>> -> memref<512x128xf32, #tpu.memory_space<hbm>>
    tpu.enqueue_indirect_dma source(%dma_start3A_21 : memref<512x128xf32, #tpu.memory_space<hbm>>) target(%arg12 : memref<128x128xf32, #tpu.memory_space<vmem>>) offsets(%arg8 : memref<128xi32, #tpu.memory_space<vmem>>) semaphore(%arg20 : memref<!tpu.dma_semaphore, #tpu.memory_space<semaphore_mem>>)
    %dma_wait3A = arith.constant 0 : i32
    %dma_wait3A_22 = arith.constant 0 : i32
    %dma_wait3A_23 = tpu.memref_slice %arg2[%dma_wait3A, %dma_wait3A_22] : memref<512x128xf32, #tpu.memory_space<hbm>> -> memref<512x128xf32, #tpu.memory_space<hbm>>
    tpu.wait_indirect_dma semaphore(%arg17 : memref<!tpu.dma_semaphore, #tpu.memory_space<semaphore_mem>>) src(%dma_wait3A_23 : memref<512x128xf32, #tpu.memory_space<hbm>>) dst(%arg9 : memref<128x128xf32, #tpu.memory_space<vmem>>)
    %scan3A = arith.constant 0 : i32
    %scan3A_24 = arith.constant 32 : i32
    %scan3A_25 = arith.addi %scan3A, %scan3A_24 : i32
    %scan3A_26 = arith.constant 1 : i32
    scf.for %scan3A_84 = %scan3A to %scan3A_25 step %scan3A_26  : i32 {
      %mul3A_85 = arith.constant 4 : i32
      %mul3A_86 = arith.muli %scan3A_84, %mul3A_85 : i32
      %add3A_87 = arith.constant 0 : i32
      %add3A_88 = arith.addi %add3A_87, %mul3A_86 : i32
      %add3A_89 = arith.constant 0 : i32
      %add3A_90 = arith.addi %add3A_88, %add3A_89 : i32
      %get3A = arith.index_cast %add3A_90 : i32 to index
      %get3A_91 = arith.constant 0 : index
      %get3A_92 = tpu.vector_load %arg9[%get3A, %get3A_91] {strides = array<i32>} : memref<128x128xf32, #tpu.memory_space<vmem>>, vector<1x16xf32>,
      %get3A_93 = vector.shape_cast %get3A_92 : vector<1x16xf32> to vector<16xf32>
      %mul3A_94 = arith.constant 32 : i32
      %mul3A_95 = arith.muli %add3A_90, %mul3A_94 : i32
      %swap3A = arith.index_cast %mul3A_95 : i32 to index
      %swap3A_96 = tpu.vector_load %arg13[%swap3A] {strides = array<i32>} : memref<4096xf32, #tpu.memory_space<vmem>>, vector<16xf32>,
      %swap3A_97 = vector.shape_cast %swap3A_96 : vector<16xf32> to vector<16xf32>
      %swap3A_98 = vector.shape_cast %get3A_93 : vector<16xf32> to vector<16xf32>
      tpu.vector_store %arg13[%swap3A], %swap3A_98 {strides = array<i32>} : memref<4096xf32, #tpu.memory_space<vmem>>, vector<16xf32>,
      %get3A_99 = arith.index_cast %add3A_90 : i32 to index
      %get3A_100 = arith.constant 16 : index
      %get3A_101 = tpu.vector_load %arg9[%get3A_99, %get3A_100] {strides = array<i32>} : memref<128x128xf32, #tpu.memory_space<vmem>>, vector<1x16xf32>,
      %get3A_102 = vector.shape_cast %get3A_101 : vector<1x16xf32> to vector<16xf32>
      %mul3A_103 = arith.constant 32 : i32
      %mul3A_104 = arith.muli %add3A_90, %mul3A_103 : i32
      %add3A_105 = arith.constant 16 : i32
      %add3A_106 = arith.addi %mul3A_104, %add3A_105 : i32
      %swap3A_107 = arith.index_cast %add3A_106 : i32 to index
      %swap3A_108 = tpu.vector_load %arg13[%swap3A_107] {strides = array<i32>} : memref<4096xf32, #tpu.memory_space<vmem>>, vector<16xf32>,
      %swap3A_109 = vector.shape_cast %swap3A_108 : vector<16xf32> to vector<16xf32>
      %swap3A_110 = vector.shape_cast %get3A_102 : vector<16xf32> to vector<16xf32>
      tpu.vector_store %arg13[%swap3A_107], %swap3A_110 {strides = array<i32>} : memref<4096xf32, #tpu.memory_space<vmem>>, vector<16xf32>,
      %add3A_111 = arith.constant 1 : i32
      %add3A_112 = arith.addi %add3A_88, %add3A_111 : i32
      %get3A_113 = arith.index_cast %add3A_112 : i32 to index
      %get3A_114 = arith.constant 0 : index
      %get3A_115 = tpu.vector_load %arg9[%get3A_113, %get3A_114] {strides = array<i32>} : memref<128x128xf32, #tpu.memory_space<vmem>>, vector<1x16xf32>,
      %get3A_116 = vector.shape_cast %get3A_115 : vector<1x16xf32> to vector<16xf32>
      %mul3A_117 = arith.constant 32 : i32
      %mul3A_118 = arith.muli %add3A_112, %mul3A_117 : i32
      %swap3A_119 = arith.index_cast %mul3A_118 : i32 to index
      %swap3A_120 = tpu.vector_load %arg13[%swap3A_119] {strides = array<i32>} : memref<4096xf32, #tpu.memory_space<vmem>>, vector<16xf32>,
      %swap3A_121 = vector.shape_cast %swap3A_120 : vector<16xf32> to vector<16xf32>
      %swap3A_122 = vector.shape_cast %get3A_116 : vector<16xf32> to vector<16xf32>
      tpu.vector_store %arg13[%swap3A_119], %swap3A_122 {strides = array<i32>} : memref<4096xf32, #tpu.memory_space<vmem>>, vector<16xf32>,
      %get3A_123 = arith.index_cast %add3A_112 : i32 to index
      %get3A_124 = arith.constant 16 : index
      %get3A_125 = tpu.vector_load %arg9[%get3A_123, %get3A_124] {strides = array<i32>} : memref<128x128xf32, #tpu.memory_space<vmem>>, vector<1x16xf32>,
      %get3A_126 = vector.shape_cast %get3A_125 : vector<1x16xf32> to vector<16xf32>
      %mul3A_127 = arith.constant 32 : i32
      %mul3A_128 = arith.muli %add3A_112, %mul3A_127 : i32
      %add3A_129 = arith.constant 16 : i32
      %add3A_130 = arith.addi %mul3A_128, %add3A_129 : i32
      %swap3A_131 = arith.index_cast %add3A_130 : i32 to index
      %swap3A_132 = tpu.vector_load %arg13[%swap3A_131] {strides = array<i32>} : memref<4096xf32, #tpu.memory_space<vmem>>, vector<16xf32>,
      %swap3A_133 = vector.shape_cast %swap3A_132 : vector<16xf32> to vector<16xf32>
      %swap3A_134 = vector.shape_cast %get3A_126 : vector<16xf32> to vector<16xf32>
      tpu.vector_store %arg13[%swap3A_131], %swap3A_134 {strides = array<i32>} : memref<4096xf32, #tpu.memory_space<vmem>>, vector<16xf32>,
      %add3A_135 = arith.constant 2 : i32
      %add3A_136 = arith.addi %add3A_88, %add3A_135 : i32
      %get3A_137 = arith.index_cast %add3A_136 : i32 to index
      %get3A_138 = arith.constant 0 : index
      %get3A_139 = tpu.vector_load %arg9[%get3A_137, %get3A_138] {strides = array<i32>} : memref<128x128xf32, #tpu.memory_space<vmem>>, vector<1x16xf32>,
      %get3A_140 = vector.shape_cast %get3A_139 : vector<1x16xf32> to vector<16xf32>
      %mul3A_141 = arith.constant 32 : i32
      %mul3A_142 = arith.muli %add3A_136, %mul3A_141 : i32
      %swap3A_143 = arith.index_cast %mul3A_142 : i32 to index
      %swap3A_144 = tpu.vector_load %arg13[%swap3A_143] {strides = array<i32>} : memref<4096xf32, #tpu.memory_space<vmem>>, vector<16xf32>,
      %swap3A_145 = vector.shape_cast %swap3A_144 : vector<16xf32> to vector<16xf32>
      %swap3A_146 = vector.shape_cast %get3A_140 : vector<16xf32> to vector<16xf32>
      tpu.vector_store %arg13[%swap3A_143], %swap3A_146 {strides = array<i32>} : memref<4096xf32, #tpu.memory_space<vmem>>, vector<16xf32>,
      %get3A_147 = arith.index_cast %add3A_136 : i32 to index
      %get3A_148 = arith.constant 16 : index
      %get3A_149 = tpu.vector_load %arg9[%get3A_147, %get3A_148] {strides = array<i32>} : memref<128x128xf32, #tpu.memory_space<vmem>>, vector<1x16xf32>,
      %get3A_150 = vector.shape_cast %get3A_149 : vector<1x16xf32> to vector<16xf32>
      %mul3A_151 = arith.constant 32 : i32
      %mul3A_152 = arith.muli %add3A_136, %mul3A_151 : i32
      %add3A_153 = arith.constant 16 : i32
      %add3A_154 = arith.addi %mul3A_152, %add3A_153 : i32
      %swap3A_155 = arith.index_cast %add3A_154 : i32 to index
      %swap3A_156 = tpu.vector_load %arg13[%swap3A_155] {strides = array<i32>} : memref<4096xf32, #tpu.memory_space<vmem>>, vector<16xf32>,
      %swap3A_157 = vector.shape_cast %swap3A_156 : vector<16xf32> to vector<16xf32>
      %swap3A_158 = vector.shape_cast %get3A_150 : vector<16xf32> to vector<16xf32>
      tpu.vector_store %arg13[%swap3A_155], %swap3A_158 {strides = array<i32>} : memref<4096xf32, #tpu.memory_space<vmem>>, vector<16xf32>,
      %add3A_159 = arith.constant 3 : i32
      %add3A_160 = arith.addi %add3A_88, %add3A_159 : i32
      %get3A_161 = arith.index_cast %add3A_160 : i32 to index
      %get3A_162 = arith.constant 0 : index
      %get3A_163 = tpu.vector_load %arg9[%get3A_161, %get3A_162] {strides = array<i32>} : memref<128x128xf32, #tpu.memory_space<vmem>>, vector<1x16xf32>,
      %get3A_164 = vector.shape_cast %get3A_163 : vector<1x16xf32> to vector<16xf32>
      %mul3A_165 = arith.constant 32 : i32
      %mul3A_166 = arith.muli %add3A_160, %mul3A_165 : i32
      %swap3A_167 = arith.index_cast %mul3A_166 : i32 to index
      %swap3A_168 = tpu.vector_load %arg13[%swap3A_167] {strides = array<i32>} : memref<4096xf32, #tpu.memory_space<vmem>>, vector<16xf32>,
      %swap3A_169 = vector.shape_cast %swap3A_168 : vector<16xf32> to vector<16xf32>
      %swap3A_170 = vector.shape_cast %get3A_164 : vector<16xf32> to vector<16xf32>
      tpu.vector_store %arg13[%swap3A_167], %swap3A_170 {strides = array<i32>} : memref<4096xf32, #tpu.memory_space<vmem>>, vector<16xf32>,
      %get3A_171 = arith.index_cast %add3A_160 : i32 to index
      %get3A_172 = arith.constant 16 : index
      %get3A_173 = tpu.vector_load %arg9[%get3A_171, %get3A_172] {strides = array<i32>} : memref<128x128xf32, #tpu.memory_space<vmem>>, vector<1x16xf32>,
      %get3A_174 = vector.shape_cast %get3A_173 : vector<1x16xf32> to vector<16xf32>
      %mul3A_175 = arith.constant 32 : i32
      %mul3A_176 = arith.muli %add3A_160, %mul3A_175 : i32
      %add3A_177 = arith.constant 16 : i32
      %add3A_178 = arith.addi %mul3A_176, %add3A_177 : i32
      %swap3A_179 = arith.index_cast %add3A_178 : i32 to index
      %swap3A_180 = tpu.vector_load %arg13[%swap3A_179] {strides = array<i32>} : memref<4096xf32, #tpu.memory_space<vmem>>, vector<16xf32>,
      %swap3A_181 = vector.shape_cast %swap3A_180 : vector<16xf32> to vector<16xf32>
      %swap3A_182 = vector.shape_cast %get3A_174 : vector<16xf32> to vector<16xf32>
      tpu.vector_store %arg13[%swap3A_179], %swap3A_182 {strides = array<i32>} : memref<4096xf32, #tpu.memory_space<vmem>>, vector<16xf32>,
    }
    %scan3A_27 = arith.constant 32 : i32
    %add3A_28 = arith.constant 0 : i32
    %add3A_29 = arith.addi %mul3A_2, %add3A_28 : i32
    %mul3A_30 = arith.constant 32 : i32
    %mul3A_31 = arith.muli %add3A_29, %mul3A_30 : i32
    %dma_start3A_32 = tpu.memref_slice %arg4[%mul3A_31] : memref<524288xf32, #tpu.memory_space<hbm>> -> memref<4096xf32, #tpu.memory_space<hbm>>
    %dma_start3A_33 = tpu.memref_slice %arg4[%mul3A_31] : memref<524288xf32, #tpu.memory_space<hbm>> -> memref<4096xf32, #tpu.memory_space<hbm>>
    tpu.enqueue_dma source(%arg13 : memref<4096xf32, #tpu.memory_space<vmem>>) target(%dma_start3A_33 : memref<4096xf32, #tpu.memory_space<hbm>>) target_semaphore(%arg21 : memref<!tpu.dma_semaphore, #tpu.memory_space<semaphore_mem>>)
    %dma_wait3A_34 = arith.constant 0 : i32
    %dma_wait3A_35 = arith.constant 0 : i32
    %dma_wait3A_36 = tpu.memref_slice %arg2[%dma_wait3A_34, %dma_wait3A_35] : memref<512x128xf32, #tpu.memory_space<hbm>> -> memref<512x128xf32, #tpu.memory_space<hbm>>
    tpu.wait_indirect_dma semaphore(%arg18 : memref<!tpu.dma_semaphore, #tpu.memory_space<semaphore_mem>>) src(%dma_wait3A_36 : memref<512x128xf32, #tpu.memory_space<hbm>>) dst(%arg10 : memref<128x128xf32, #tpu.memory_space<vmem>>)
    %scan3A_37 = arith.constant 0 : i32
    %scan3A_38 = arith.constant 32 : i32
    %scan3A_39 = arith.addi %scan3A_37, %scan3A_38 : i32
    %scan3A_40 = arith.constant 1 : i32
    scf.for %scan3A_84 = %scan3A_37 to %scan3A_39 step %scan3A_40  : i32 {
      %mul3A_85 = arith.constant 4 : i32
      %mul3A_86 = arith.muli %scan3A_84, %mul3A_85 : i32
      %add3A_87 = arith.constant 0 : i32
      %add3A_88 = arith.addi %add3A_87, %mul3A_86 : i32
      %add3A_89 = arith.constant 0 : i32
      %add3A_90 = arith.addi %add3A_88, %add3A_89 : i32
      %get3A = arith.index_cast %add3A_90 : i32 to index
      %get3A_91 = arith.constant 0 : index
      %get3A_92 = tpu.vector_load %arg10[%get3A, %get3A_91] {strides = array<i32>} : memref<128x128xf32, #tpu.memory_space<vmem>>, vector<1x16xf32>,
      %get3A_93 = vector.shape_cast %get3A_92 : vector<1x16xf32> to vector<16xf32>
      %mul3A_94 = arith.constant 32 : i32
      %mul3A_95 = arith.muli %add3A_90, %mul3A_94 : i32
      %swap3A = arith.index_cast %mul3A_95 : i32 to index
      %swap3A_96 = tpu.vector_load %arg14[%swap3A] {strides = array<i32>} : memref<4096xf32, #tpu.memory_space<vmem>>, vector<16xf32>,
      %swap3A_97 = vector.shape_cast %swap3A_96 : vector<16xf32> to vector<16xf32>
      %swap3A_98 = vector.shape_cast %get3A_93 : vector<16xf32> to vector<16xf32>
      tpu.vector_store %arg14[%swap3A], %swap3A_98 {strides = array<i32>} : memref<4096xf32, #tpu.memory_space<vmem>>, vector<16xf32>,
      %get3A_99 = arith.index_cast %add3A_90 : i32 to index
      %get3A_100 = arith.constant 16 : index
      %get3A_101 = tpu.vector_load %arg10[%get3A_99, %get3A_100] {strides = array<i32>} : memref<128x128xf32, #tpu.memory_space<vmem>>, vector<1x16xf32>,
      %get3A_102 = vector.shape_cast %get3A_101 : vector<1x16xf32> to vector<16xf32>
      %mul3A_103 = arith.constant 32 : i32
      %mul3A_104 = arith.muli %add3A_90, %mul3A_103 : i32
      %add3A_105 = arith.constant 16 : i32
      %add3A_106 = arith.addi %mul3A_104, %add3A_105 : i32
      %swap3A_107 = arith.index_cast %add3A_106 : i32 to index
      %swap3A_108 = tpu.vector_load %arg14[%swap3A_107] {strides = array<i32>} : memref<4096xf32, #tpu.memory_space<vmem>>, vector<16xf32>,
      %swap3A_109 = vector.shape_cast %swap3A_108 : vector<16xf32> to vector<16xf32>
      %swap3A_110 = vector.shape_cast %get3A_102 : vector<16xf32> to vector<16xf32>
      tpu.vector_store %arg14[%swap3A_107], %swap3A_110 {strides = array<i32>} : memref<4096xf32, #tpu.memory_space<vmem>>, vector<16xf32>,
      %add3A_111 = arith.constant 1 : i32
      %add3A_112 = arith.addi %add3A_88, %add3A_111 : i32
      %get3A_113 = arith.index_cast %add3A_112 : i32 to index
      %get3A_114 = arith.constant 0 : index
      %get3A_115 = tpu.vector_load %arg10[%get3A_113, %get3A_114] {strides = array<i32>} : memref<128x128xf32, #tpu.memory_space<vmem>>, vector<1x16xf32>,
      %get3A_116 = vector.shape_cast %get3A_115 : vector<1x16xf32> to vector<16xf32>
      %mul3A_117 = arith.constant 32 : i32
      %mul3A_118 = arith.muli %add3A_112, %mul3A_117 : i32
      %swap3A_119 = arith.index_cast %mul3A_118 : i32 to index
      %swap3A_120 = tpu.vector_load %arg14[%swap3A_119] {strides = array<i32>} : memref<4096xf32, #tpu.memory_space<vmem>>, vector<16xf32>,
      %swap3A_121 = vector.shape_cast %swap3A_120 : vector<16xf32> to vector<16xf32>
      %swap3A_122 = vector.shape_cast %get3A_116 : vector<16xf32> to vector<16xf32>
      tpu.vector_store %arg14[%swap3A_119], %swap3A_122 {strides = array<i32>} : memref<4096xf32, #tpu.memory_space<vmem>>, vector<16xf32>,
      %get3A_123 = arith.index_cast %add3A_112 : i32 to index
      %get3A_124 = arith.constant 16 : index
      %get3A_125 = tpu.vector_load %arg10[%get3A_123, %get3A_124] {strides = array<i32>} : memref<128x128xf32, #tpu.memory_space<vmem>>, vector<1x16xf32>,
      %get3A_126 = vector.shape_cast %get3A_125 : vector<1x16xf32> to vector<16xf32>
      %mul3A_127 = arith.constant 32 : i32
      %mul3A_128 = arith.muli %add3A_112, %mul3A_127 : i32
      %add3A_129 = arith.constant 16 : i32
      %add3A_130 = arith.addi %mul3A_128, %add3A_129 : i32
      %swap3A_131 = arith.index_cast %add3A_130 : i32 to index
      %swap3A_132 = tpu.vector_load %arg14[%swap3A_131] {strides = array<i32>} : memref<4096xf32, #tpu.memory_space<vmem>>, vector<16xf32>,
      %swap3A_133 = vector.shape_cast %swap3A_132 : vector<16xf32> to vector<16xf32>
      %swap3A_134 = vector.shape_cast %get3A_126 : vector<16xf32> to vector<16xf32>
      tpu.vector_store %arg14[%swap3A_131], %swap3A_134 {strides = array<i32>} : memref<4096xf32, #tpu.memory_space<vmem>>, vector<16xf32>,
      %add3A_135 = arith.constant 2 : i32
      %add3A_136 = arith.addi %add3A_88, %add3A_135 : i32
      %get3A_137 = arith.index_cast %add3A_136 : i32 to index
      %get3A_138 = arith.constant 0 : index
      %get3A_139 = tpu.vector_load %arg10[%get3A_137, %get3A_138] {strides = array<i32>} : memref<128x128xf32, #tpu.memory_space<vmem>>, vector<1x16xf32>,
      %get3A_140 = vector.shape_cast %get3A_139 : vector<1x16xf32> to vector<16xf32>
      %mul3A_141 = arith.constant 32 : i32
      %mul3A_142 = arith.muli %add3A_136, %mul3A_141 : i32
      %swap3A_143 = arith.index_cast %mul3A_142 : i32 to index
      %swap3A_144 = tpu.vector_load %arg14[%swap3A_143] {strides = array<i32>} : memref<4096xf32, #tpu.memory_space<vmem>>, vector<16xf32>,
      %swap3A_145 = vector.shape_cast %swap3A_144 : vector<16xf32> to vector<16xf32>
      %swap3A_146 = vector.shape_cast %get3A_140 : vector<16xf32> to vector<16xf32>
      tpu.vector_store %arg14[%swap3A_143], %swap3A_146 {strides = array<i32>} : memref<4096xf32, #tpu.memory_space<vmem>>, vector<16xf32>,
      %get3A_147 = arith.index_cast %add3A_136 : i32 to index
      %get3A_148 = arith.constant 16 : index
      %get3A_149 = tpu.vector_load %arg10[%get3A_147, %get3A_148] {strides = array<i32>} : memref<128x128xf32, #tpu.memory_space<vmem>>, vector<1x16xf32>,
      %get3A_150 = vector.shape_cast %get3A_149 : vector<1x16xf32> to vector<16xf32>
      %mul3A_151 = arith.constant 32 : i32
      %mul3A_152 = arith.muli %add3A_136, %mul3A_151 : i32
      %add3A_153 = arith.constant 16 : i32
      %add3A_154 = arith.addi %mul3A_152, %add3A_153 : i32
      %swap3A_155 = arith.index_cast %add3A_154 : i32 to index
      %swap3A_156 = tpu.vector_load %arg14[%swap3A_155] {strides = array<i32>} : memref<4096xf32, #tpu.memory_space<vmem>>, vector<16xf32>,
      %swap3A_157 = vector.shape_cast %swap3A_156 : vector<16xf32> to vector<16xf32>
      %swap3A_158 = vector.shape_cast %get3A_150 : vector<16xf32> to vector<16xf32>
      tpu.vector_store %arg14[%swap3A_155], %swap3A_158 {strides = array<i32>} : memref<4096xf32, #tpu.memory_space<vmem>>, vector<16xf32>,
      %add3A_159 = arith.constant 3 : i32
      %add3A_160 = arith.addi %add3A_88, %add3A_159 : i32
      %get3A_161 = arith.index_cast %add3A_160 : i32 to index
      %get3A_162 = arith.constant 0 : index
      %get3A_163 = tpu.vector_load %arg10[%get3A_161, %get3A_162] {strides = array<i32>} : memref<128x128xf32, #tpu.memory_space<vmem>>, vector<1x16xf32>,
      %get3A_164 = vector.shape_cast %get3A_163 : vector<1x16xf32> to vector<16xf32>
      %mul3A_165 = arith.constant 32 : i32
      %mul3A_166 = arith.muli %add3A_160, %mul3A_165 : i32
      %swap3A_167 = arith.index_cast %mul3A_166 : i32 to index
      %swap3A_168 = tpu.vector_load %arg14[%swap3A_167] {strides = array<i32>} : memref<4096xf32, #tpu.memory_space<vmem>>, vector<16xf32>,
      %swap3A_169 = vector.shape_cast %swap3A_168 : vector<16xf32> to vector<16xf32>
      %swap3A_170 = vector.shape_cast %get3A_164 : vector<16xf32> to vector<16xf32>
      tpu.vector_store %arg14[%swap3A_167], %swap3A_170 {strides = array<i32>} : memref<4096xf32, #tpu.memory_space<vmem>>, vector<16xf32>,
      %get3A_171 = arith.index_cast %add3A_160 : i32 to index
      %get3A_172 = arith.constant 16 : index
      %get3A_173 = tpu.vector_load %arg10[%get3A_171, %get3A_172] {strides = array<i32>} : memref<128x128xf32, #tpu.memory_space<vmem>>, vector<1x16xf32>,
      %get3A_174 = vector.shape_cast %get3A_173 : vector<1x16xf32> to vector<16xf32>
      %mul3A_175 = arith.constant 32 : i32
      %mul3A_176 = arith.muli %add3A_160, %mul3A_175 : i32
      %add3A_177 = arith.constant 16 : i32
      %add3A_178 = arith.addi %mul3A_176, %add3A_177 : i32
      %swap3A_179 = arith.index_cast %add3A_178 : i32 to index
      %swap3A_180 = tpu.vector_load %arg14[%swap3A_179] {strides = array<i32>} : memref<4096xf32, #tpu.memory_space<vmem>>, vector<16xf32>,
      %swap3A_181 = vector.shape_cast %swap3A_180 : vector<16xf32> to vector<16xf32>
      %swap3A_182 = vector.shape_cast %get3A_174 : vector<16xf32> to vector<16xf32>
      tpu.vector_store %arg14[%swap3A_179], %swap3A_182 {strides = array<i32>} : memref<4096xf32, #tpu.memory_space<vmem>>, vector<16xf32>,
    }
    %scan3A_41 = arith.constant 32 : i32
    %add3A_42 = arith.constant 128 : i32
    %add3A_43 = arith.addi %mul3A_2, %add3A_42 : i32
    %mul3A_44 = arith.constant 32 : i32
    %mul3A_45 = arith.muli %add3A_43, %mul3A_44 : i32
    %dma_start3A_46 = tpu.memref_slice %arg4[%mul3A_45] : memref<524288xf32, #tpu.memory_space<hbm>> -> memref<4096xf32, #tpu.memory_space<hbm>>
    %dma_start3A_47 = tpu.memref_slice %arg4[%mul3A_45] : memref<524288xf32, #tpu.memory_space<hbm>> -> memref<4096xf32, #tpu.memory_space<hbm>>
    tpu.enqueue_dma source(%arg14 : memref<4096xf32, #tpu.memory_space<vmem>>) target(%dma_start3A_47 : memref<4096xf32, #tpu.memory_space<hbm>>) target_semaphore(%arg21 : memref<!tpu.dma_semaphore, #tpu.memory_space<semaphore_mem>>)
    %dma_wait3A_48 = arith.constant 0 : i32
    %dma_wait3A_49 = arith.constant 0 : i32
    %dma_wait3A_50 = tpu.memref_slice %arg2[%dma_wait3A_48, %dma_wait3A_49] : memref<512x128xf32, #tpu.memory_space<hbm>> -> memref<512x128xf32, #tpu.memory_space<hbm>>
    tpu.wait_indirect_dma semaphore(%arg19 : memref<!tpu.dma_semaphore, #tpu.memory_space<semaphore_mem>>) src(%dma_wait3A_50 : memref<512x128xf32, #tpu.memory_space<hbm>>) dst(%arg11 : memref<128x128xf32, #tpu.memory_space<vmem>>)
    %scan3A_51 = arith.constant 0 : i32
    %scan3A_52 = arith.constant 32 : i32
    %scan3A_53 = arith.addi %scan3A_51, %scan3A_52 : i32
    %scan3A_54 = arith.constant 1 : i32
    scf.for %scan3A_84 = %scan3A_51 to %scan3A_53 step %scan3A_54  : i32 {
      %mul3A_85 = arith.constant 4 : i32
      %mul3A_86 = arith.muli %scan3A_84, %mul3A_85 : i32
      %add3A_87 = arith.constant 0 : i32
      %add3A_88 = arith.addi %add3A_87, %mul3A_86 : i32
      %add3A_89 = arith.constant 0 : i32
      %add3A_90 = arith.addi %add3A_88, %add3A_89 : i32
      %get3A = arith.index_cast %add3A_90 : i32 to index
      %get3A_91 = arith.constant 0 : index
      %get3A_92 = tpu.vector_load %arg11[%get3A, %get3A_91] {strides = array<i32>} : memref<128x128xf32, #tpu.memory_space<vmem>>, vector<1x16xf32>,
      %get3A_93 = vector.shape_cast %get3A_92 : vector<1x16xf32> to vector<16xf32>
      %mul3A_94 = arith.constant 32 : i32
      %mul3A_95 = arith.muli %add3A_90, %mul3A_94 : i32
      %swap3A = arith.index_cast %mul3A_95 : i32 to index
      %swap3A_96 = tpu.vector_load %arg15[%swap3A] {strides = array<i32>} : memref<4096xf32, #tpu.memory_space<vmem>>, vector<16xf32>,
      %swap3A_97 = vector.shape_cast %swap3A_96 : vector<16xf32> to vector<16xf32>
      %swap3A_98 = vector.shape_cast %get3A_93 : vector<16xf32> to vector<16xf32>
      tpu.vector_store %arg15[%swap3A], %swap3A_98 {strides = array<i32>} : memref<4096xf32, #tpu.memory_space<vmem>>, vector<16xf32>,
      %get3A_99 = arith.index_cast %add3A_90 : i32 to index
      %get3A_100 = arith.constant 16 : index
      %get3A_101 = tpu.vector_load %arg11[%get3A_99, %get3A_100] {strides = array<i32>} : memref<128x128xf32, #tpu.memory_space<vmem>>, vector<1x16xf32>,
      %get3A_102 = vector.shape_cast %get3A_101 : vector<1x16xf32> to vector<16xf32>
      %mul3A_103 = arith.constant 32 : i32
      %mul3A_104 = arith.muli %add3A_90, %mul3A_103 : i32
      %add3A_105 = arith.constant 16 : i32
      %add3A_106 = arith.addi %mul3A_104, %add3A_105 : i32
      %swap3A_107 = arith.index_cast %add3A_106 : i32 to index
      %swap3A_108 = tpu.vector_load %arg15[%swap3A_107] {strides = array<i32>} : memref<4096xf32, #tpu.memory_space<vmem>>, vector<16xf32>,
      %swap3A_109 = vector.shape_cast %swap3A_108 : vector<16xf32> to vector<16xf32>
      %swap3A_110 = vector.shape_cast %get3A_102 : vector<16xf32> to vector<16xf32>
      tpu.vector_store %arg15[%swap3A_107], %swap3A_110 {strides = array<i32>} : memref<4096xf32, #tpu.memory_space<vmem>>, vector<16xf32>,
      %add3A_111 = arith.constant 1 : i32
      %add3A_112 = arith.addi %add3A_88, %add3A_111 : i32
      %get3A_113 = arith.index_cast %add3A_112 : i32 to index
      %get3A_114 = arith.constant 0 : index
      %get3A_115 = tpu.vector_load %arg11[%get3A_113, %get3A_114] {strides = array<i32>} : memref<128x128xf32, #tpu.memory_space<vmem>>, vector<1x16xf32>,
      %get3A_116 = vector.shape_cast %get3A_115 : vector<1x16xf32> to vector<16xf32>
      %mul3A_117 = arith.constant 32 : i32
      %mul3A_118 = arith.muli %add3A_112, %mul3A_117 : i32
      %swap3A_119 = arith.index_cast %mul3A_118 : i32 to index
      %swap3A_120 = tpu.vector_load %arg15[%swap3A_119] {strides = array<i32>} : memref<4096xf32, #tpu.memory_space<vmem>>, vector<16xf32>,
      %swap3A_121 = vector.shape_cast %swap3A_120 : vector<16xf32> to vector<16xf32>
      %swap3A_122 = vector.shape_cast %get3A_116 : vector<16xf32> to vector<16xf32>
      tpu.vector_store %arg15[%swap3A_119], %swap3A_122 {strides = array<i32>} : memref<4096xf32, #tpu.memory_space<vmem>>, vector<16xf32>,
      %get3A_123 = arith.index_cast %add3A_112 : i32 to index
      %get3A_124 = arith.constant 16 : index
      %get3A_125 = tpu.vector_load %arg11[%get3A_123, %get3A_124] {strides = array<i32>} : memref<128x128xf32, #tpu.memory_space<vmem>>, vector<1x16xf32>,
      %get3A_126 = vector.shape_cast %get3A_125 : vector<1x16xf32> to vector<16xf32>
      %mul3A_127 = arith.constant 32 : i32
      %mul3A_128 = arith.muli %add3A_112, %mul3A_127 : i32
      %add3A_129 = arith.constant 16 : i32
      %add3A_130 = arith.addi %mul3A_128, %add3A_129 : i32
      %swap3A_131 = arith.index_cast %add3A_130 : i32 to index
      %swap3A_132 = tpu.vector_load %arg15[%swap3A_131] {strides = array<i32>} : memref<4096xf32, #tpu.memory_space<vmem>>, vector<16xf32>,
      %swap3A_133 = vector.shape_cast %swap3A_132 : vector<16xf32> to vector<16xf32>
      %swap3A_134 = vector.shape_cast %get3A_126 : vector<16xf32> to vector<16xf32>
      tpu.vector_store %arg15[%swap3A_131], %swap3A_134 {strides = array<i32>} : memref<4096xf32, #tpu.memory_space<vmem>>, vector<16xf32>,
      %add3A_135 = arith.constant 2 : i32
      %add3A_136 = arith.addi %add3A_88, %add3A_135 : i32
      %get3A_137 = arith.index_cast %add3A_136 : i32 to index
      %get3A_138 = arith.constant 0 : index
      %get3A_139 = tpu.vector_load %arg11[%get3A_137, %get3A_138] {strides = array<i32>} : memref<128x128xf32, #tpu.memory_space<vmem>>, vector<1x16xf32>,
      %get3A_140 = vector.shape_cast %get3A_139 : vector<1x16xf32> to vector<16xf32>
      %mul3A_141 = arith.constant 32 : i32
      %mul3A_142 = arith.muli %add3A_136, %mul3A_141 : i32
      %swap3A_143 = arith.index_cast %mul3A_142 : i32 to index
      %swap3A_144 = tpu.vector_load %arg15[%swap3A_143] {strides = array<i32>} : memref<4096xf32, #tpu.memory_space<vmem>>, vector<16xf32>,
      %swap3A_145 = vector.shape_cast %swap3A_144 : vector<16xf32> to vector<16xf32>
      %swap3A_146 = vector.shape_cast %get3A_140 : vector<16xf32> to vector<16xf32>
      tpu.vector_store %arg15[%swap3A_143], %swap3A_146 {strides = array<i32>} : memref<4096xf32, #tpu.memory_space<vmem>>, vector<16xf32>,
      %get3A_147 = arith.index_cast %add3A_136 : i32 to index
      %get3A_148 = arith.constant 16 : index
      %get3A_149 = tpu.vector_load %arg11[%get3A_147, %get3A_148] {strides = array<i32>} : memref<128x128xf32, #tpu.memory_space<vmem>>, vector<1x16xf32>,
      %get3A_150 = vector.shape_cast %get3A_149 : vector<1x16xf32> to vector<16xf32>
      %mul3A_151 = arith.constant 32 : i32
      %mul3A_152 = arith.muli %add3A_136, %mul3A_151 : i32
      %add3A_153 = arith.constant 16 : i32
      %add3A_154 = arith.addi %mul3A_152, %add3A_153 : i32
      %swap3A_155 = arith.index_cast %add3A_154 : i32 to index
      %swap3A_156 = tpu.vector_load %arg15[%swap3A_155] {strides = array<i32>} : memref<4096xf32, #tpu.memory_space<vmem>>, vector<16xf32>,
      %swap3A_157 = vector.shape_cast %swap3A_156 : vector<16xf32> to vector<16xf32>
      %swap3A_158 = vector.shape_cast %get3A_150 : vector<16xf32> to vector<16xf32>
      tpu.vector_store %arg15[%swap3A_155], %swap3A_158 {strides = array<i32>} : memref<4096xf32, #tpu.memory_space<vmem>>, vector<16xf32>,
      %add3A_159 = arith.constant 3 : i32
      %add3A_160 = arith.addi %add3A_88, %add3A_159 : i32
      %get3A_161 = arith.index_cast %add3A_160 : i32 to index
      %get3A_162 = arith.constant 0 : index
      %get3A_163 = tpu.vector_load %arg11[%get3A_161, %get3A_162] {strides = array<i32>} : memref<128x128xf32, #tpu.memory_space<vmem>>, vector<1x16xf32>,
      %get3A_164 = vector.shape_cast %get3A_163 : vector<1x16xf32> to vector<16xf32>
      %mul3A_165 = arith.constant 32 : i32
      %mul3A_166 = arith.muli %add3A_160, %mul3A_165 : i32
      %swap3A_167 = arith.index_cast %mul3A_166 : i32 to index
      %swap3A_168 = tpu.vector_load %arg15[%swap3A_167] {strides = array<i32>} : memref<4096xf32, #tpu.memory_space<vmem>>, vector<16xf32>,
      %swap3A_169 = vector.shape_cast %swap3A_168 : vector<16xf32> to vector<16xf32>
      %swap3A_170 = vector.shape_cast %get3A_164 : vector<16xf32> to vector<16xf32>
      tpu.vector_store %arg15[%swap3A_167], %swap3A_170 {strides = array<i32>} : memref<4096xf32, #tpu.memory_space<vmem>>, vector<16xf32>,
      %get3A_171 = arith.index_cast %add3A_160 : i32 to index
      %get3A_172 = arith.constant 16 : index
      %get3A_173 = tpu.vector_load %arg11[%get3A_171, %get3A_172] {strides = array<i32>} : memref<128x128xf32, #tpu.memory_space<vmem>>, vector<1x16xf32>,
      %get3A_174 = vector.shape_cast %get3A_173 : vector<1x16xf32> to vector<16xf32>
      %mul3A_175 = arith.constant 32 : i32
      %mul3A_176 = arith.muli %add3A_160, %mul3A_175 : i32
      %add3A_177 = arith.constant 16 : i32
      %add3A_178 = arith.addi %mul3A_176, %add3A_177 : i32
      %swap3A_179 = arith.index_cast %add3A_178 : i32 to index
      %swap3A_180 = tpu.vector_load %arg15[%swap3A_179] {strides = array<i32>} : memref<4096xf32, #tpu.memory_space<vmem>>, vector<16xf32>,
      %swap3A_181 = vector.shape_cast %swap3A_180 : vector<16xf32> to vector<16xf32>
      %swap3A_182 = vector.shape_cast %get3A_174 : vector<16xf32> to vector<16xf32>
      tpu.vector_store %arg15[%swap3A_179], %swap3A_182 {strides = array<i32>} : memref<4096xf32, #tpu.memory_space<vmem>>, vector<16xf32>,
    }
    %scan3A_55 = arith.constant 32 : i32
    %add3A_56 = arith.constant 256 : i32
    %add3A_57 = arith.addi %mul3A_2, %add3A_56 : i32
    %mul3A_58 = arith.constant 32 : i32
    %mul3A_59 = arith.muli %add3A_57, %mul3A_58 : i32
    %dma_start3A_60 = tpu.memref_slice %arg4[%mul3A_59] : memref<524288xf32, #tpu.memory_space<hbm>> -> memref<4096xf32, #tpu.memory_space<hbm>>
    %dma_start3A_61 = tpu.memref_slice %arg4[%mul3A_59] : memref<524288xf32, #tpu.memory_space<hbm>> -> memref<4096xf32, #tpu.memory_space<hbm>>
    tpu.enqueue_dma source(%arg15 : memref<4096xf32, #tpu.memory_space<vmem>>) target(%dma_start3A_61 : memref<4096xf32, #tpu.memory_space<hbm>>) target_semaphore(%arg21 : memref<!tpu.dma_semaphore, #tpu.memory_space<semaphore_mem>>)
    %dma_wait3A_62 = arith.constant 0 : i32
    %dma_wait3A_63 = arith.constant 0 : i32
    %dma_wait3A_64 = tpu.memref_slice %arg2[%dma_wait3A_62, %dma_wait3A_63] : memref<512x128xf32, #tpu.memory_space<hbm>> -> memref<512x128xf32, #tpu.memory_space<hbm>>
    tpu.wait_indirect_dma semaphore(%arg20 : memref<!tpu.dma_semaphore, #tpu.memory_space<semaphore_mem>>) src(%dma_wait3A_64 : memref<512x128xf32, #tpu.memory_space<hbm>>) dst(%arg12 : memref<128x128xf32, #tpu.memory_space<vmem>>)
    %scan3A_65 = arith.constant 0 : i32
    %scan3A_66 = arith.constant 32 : i32
    %scan3A_67 = arith.addi %scan3A_65, %scan3A_66 : i32
    %scan3A_68 = arith.constant 1 : i32
    scf.for %scan3A_84 = %scan3A_65 to %scan3A_67 step %scan3A_68  : i32 {
      %mul3A_85 = arith.constant 4 : i32
      %mul3A_86 = arith.muli %scan3A_84, %mul3A_85 : i32
      %add3A_87 = arith.constant 0 : i32
      %add3A_88 = arith.addi %add3A_87, %mul3A_86 : i32
      %add3A_89 = arith.constant 0 : i32
      %add3A_90 = arith.addi %add3A_88, %add3A_89 : i32
      %get3A = arith.index_cast %add3A_90 : i32 to index
      %get3A_91 = arith.constant 0 : index
      %get3A_92 = tpu.vector_load %arg12[%get3A, %get3A_91] {strides = array<i32>} : memref<128x128xf32, #tpu.memory_space<vmem>>, vector<1x16xf32>,
      %get3A_93 = vector.shape_cast %get3A_92 : vector<1x16xf32> to vector<16xf32>
      %mul3A_94 = arith.constant 32 : i32
      %mul3A_95 = arith.muli %add3A_90, %mul3A_94 : i32
      %swap3A = arith.index_cast %mul3A_95 : i32 to index
      %swap3A_96 = tpu.vector_load %arg16[%swap3A] {strides = array<i32>} : memref<4096xf32, #tpu.memory_space<vmem>>, vector<16xf32>,
      %swap3A_97 = vector.shape_cast %swap3A_96 : vector<16xf32> to vector<16xf32>
      %swap3A_98 = vector.shape_cast %get3A_93 : vector<16xf32> to vector<16xf32>
      tpu.vector_store %arg16[%swap3A], %swap3A_98 {strides = array<i32>} : memref<4096xf32, #tpu.memory_space<vmem>>, vector<16xf32>,
      %get3A_99 = arith.index_cast %add3A_90 : i32 to index
      %get3A_100 = arith.constant 16 : index
      %get3A_101 = tpu.vector_load %arg12[%get3A_99, %get3A_100] {strides = array<i32>} : memref<128x128xf32, #tpu.memory_space<vmem>>, vector<1x16xf32>,
      %get3A_102 = vector.shape_cast %get3A_101 : vector<1x16xf32> to vector<16xf32>
      %mul3A_103 = arith.constant 32 : i32
      %mul3A_104 = arith.muli %add3A_90, %mul3A_103 : i32
      %add3A_105 = arith.constant 16 : i32
      %add3A_106 = arith.addi %mul3A_104, %add3A_105 : i32
      %swap3A_107 = arith.index_cast %add3A_106 : i32 to index
      %swap3A_108 = tpu.vector_load %arg16[%swap3A_107] {strides = array<i32>} : memref<4096xf32, #tpu.memory_space<vmem>>, vector<16xf32>,
      %swap3A_109 = vector.shape_cast %swap3A_108 : vector<16xf32> to vector<16xf32>
      %swap3A_110 = vector.shape_cast %get3A_102 : vector<16xf32> to vector<16xf32>
      tpu.vector_store %arg16[%swap3A_107], %swap3A_110 {strides = array<i32>} : memref<4096xf32, #tpu.memory_space<vmem>>, vector<16xf32>,
      %add3A_111 = arith.constant 1 : i32
      %add3A_112 = arith.addi %add3A_88, %add3A_111 : i32
      %get3A_113 = arith.index_cast %add3A_112 : i32 to index
      %get3A_114 = arith.constant 0 : index
      %get3A_115 = tpu.vector_load %arg12[%get3A_113, %get3A_114] {strides = array<i32>} : memref<128x128xf32, #tpu.memory_space<vmem>>, vector<1x16xf32>,
      %get3A_116 = vector.shape_cast %get3A_115 : vector<1x16xf32> to vector<16xf32>
      %mul3A_117 = arith.constant 32 : i32
      %mul3A_118 = arith.muli %add3A_112, %mul3A_117 : i32
      %swap3A_119 = arith.index_cast %mul3A_118 : i32 to index
      %swap3A_120 = tpu.vector_load %arg16[%swap3A_119] {strides = array<i32>} : memref<4096xf32, #tpu.memory_space<vmem>>, vector<16xf32>,
      %swap3A_121 = vector.shape_cast %swap3A_120 : vector<16xf32> to vector<16xf32>
      %swap3A_122 = vector.shape_cast %get3A_116 : vector<16xf32> to vector<16xf32>
      tpu.vector_store %arg16[%swap3A_119], %swap3A_122 {strides = array<i32>} : memref<4096xf32, #tpu.memory_space<vmem>>, vector<16xf32>,
      %get3A_123 = arith.index_cast %add3A_112 : i32 to index
      %get3A_124 = arith.constant 16 : index
      %get3A_125 = tpu.vector_load %arg12[%get3A_123, %get3A_124] {strides = array<i32>} : memref<128x128xf32, #tpu.memory_space<vmem>>, vector<1x16xf32>,
      %get3A_126 = vector.shape_cast %get3A_125 : vector<1x16xf32> to vector<16xf32>
      %mul3A_127 = arith.constant 32 : i32
      %mul3A_128 = arith.muli %add3A_112, %mul3A_127 : i32
      %add3A_129 = arith.constant 16 : i32
      %add3A_130 = arith.addi %mul3A_128, %add3A_129 : i32
      %swap3A_131 = arith.index_cast %add3A_130 : i32 to index
      %swap3A_132 = tpu.vector_load %arg16[%swap3A_131] {strides = array<i32>} : memref<4096xf32, #tpu.memory_space<vmem>>, vector<16xf32>,
      %swap3A_133 = vector.shape_cast %swap3A_132 : vector<16xf32> to vector<16xf32>
      %swap3A_134 = vector.shape_cast %get3A_126 : vector<16xf32> to vector<16xf32>
      tpu.vector_store %arg16[%swap3A_131], %swap3A_134 {strides = array<i32>} : memref<4096xf32, #tpu.memory_space<vmem>>, vector<16xf32>,
      %add3A_135 = arith.constant 2 : i32
      %add3A_136 = arith.addi %add3A_88, %add3A_135 : i32
      %get3A_137 = arith.index_cast %add3A_136 : i32 to index
      %get3A_138 = arith.constant 0 : index
      %get3A_139 = tpu.vector_load %arg12[%get3A_137, %get3A_138] {strides = array<i32>} : memref<128x128xf32, #tpu.memory_space<vmem>>, vector<1x16xf32>,
      %get3A_140 = vector.shape_cast %get3A_139 : vector<1x16xf32> to vector<16xf32>
      %mul3A_141 = arith.constant 32 : i32
      %mul3A_142 = arith.muli %add3A_136, %mul3A_141 : i32
      %swap3A_143 = arith.index_cast %mul3A_142 : i32 to index
      %swap3A_144 = tpu.vector_load %arg16[%swap3A_143] {strides = array<i32>} : memref<4096xf32, #tpu.memory_space<vmem>>, vector<16xf32>,
      %swap3A_145 = vector.shape_cast %swap3A_144 : vector<16xf32> to vector<16xf32>
      %swap3A_146 = vector.shape_cast %get3A_140 : vector<16xf32> to vector<16xf32>
      tpu.vector_store %arg16[%swap3A_143], %swap3A_146 {strides = array<i32>} : memref<4096xf32, #tpu.memory_space<vmem>>, vector<16xf32>,
      %get3A_147 = arith.index_cast %add3A_136 : i32 to index
      %get3A_148 = arith.constant 16 : index
      %get3A_149 = tpu.vector_load %arg12[%get3A_147, %get3A_148] {strides = array<i32>} : memref<128x128xf32, #tpu.memory_space<vmem>>, vector<1x16xf32>,
      %get3A_150 = vector.shape_cast %get3A_149 : vector<1x16xf32> to vector<16xf32>
      %mul3A_151 = arith.constant 32 : i32
      %mul3A_152 = arith.muli %add3A_136, %mul3A_151 : i32
      %add3A_153 = arith.constant 16 : i32
      %add3A_154 = arith.addi %mul3A_152, %add3A_153 : i32
      %swap3A_155 = arith.index_cast %add3A_154 : i32 to index
      %swap3A_156 = tpu.vector_load %arg16[%swap3A_155] {strides = array<i32>} : memref<4096xf32, #tpu.memory_space<vmem>>, vector<16xf32>,
      %swap3A_157 = vector.shape_cast %swap3A_156 : vector<16xf32> to vector<16xf32>
      %swap3A_158 = vector.shape_cast %get3A_150 : vector<16xf32> to vector<16xf32>
      tpu.vector_store %arg16[%swap3A_155], %swap3A_158 {strides = array<i32>} : memref<4096xf32, #tpu.memory_space<vmem>>, vector<16xf32>,
      %add3A_159 = arith.constant 3 : i32
      %add3A_160 = arith.addi %add3A_88, %add3A_159 : i32
      %get3A_161 = arith.index_cast %add3A_160 : i32 to index
      %get3A_162 = arith.constant 0 : index
      %get3A_163 = tpu.vector_load %arg12[%get3A_161, %get3A_162] {strides = array<i32>} : memref<128x128xf32, #tpu.memory_space<vmem>>, vector<1x16xf32>,
      %get3A_164 = vector.shape_cast %get3A_163 : vector<1x16xf32> to vector<16xf32>
      %mul3A_165 = arith.constant 32 : i32
      %mul3A_166 = arith.muli %add3A_160, %mul3A_165 : i32
      %swap3A_167 = arith.index_cast %mul3A_166 : i32 to index
      %swap3A_168 = tpu.vector_load %arg16[%swap3A_167] {strides = array<i32>} : memref<4096xf32, #tpu.memory_space<vmem>>, vector<16xf32>,
      %swap3A_169 = vector.shape_cast %swap3A_168 : vector<16xf32> to vector<16xf32>
      %swap3A_170 = vector.shape_cast %get3A_164 : vector<16xf32> to vector<16xf32>
      tpu.vector_store %arg16[%swap3A_167], %swap3A_170 {strides = array<i32>} : memref<4096xf32, #tpu.memory_space<vmem>>, vector<16xf32>,
      %get3A_171 = arith.index_cast %add3A_160 : i32 to index
      %get3A_172 = arith.constant 16 : index
      %get3A_173 = tpu.vector_load %arg12[%get3A_171, %get3A_172] {strides = array<i32>} : memref<128x128xf32, #tpu.memory_space<vmem>>, vector<1x16xf32>,
      %get3A_174 = vector.shape_cast %get3A_173 : vector<1x16xf32> to vector<16xf32>
      %mul3A_175 = arith.constant 32 : i32
      %mul3A_176 = arith.muli %add3A_160, %mul3A_175 : i32
      %add3A_177 = arith.constant 16 : i32
      %add3A_178 = arith.addi %mul3A_176, %add3A_177 : i32
      %swap3A_179 = arith.index_cast %add3A_178 : i32 to index
      %swap3A_180 = tpu.vector_load %arg16[%swap3A_179] {strides = array<i32>} : memref<4096xf32, #tpu.memory_space<vmem>>, vector<16xf32>,
      %swap3A_181 = vector.shape_cast %swap3A_180 : vector<16xf32> to vector<16xf32>
      %swap3A_182 = vector.shape_cast %get3A_174 : vector<16xf32> to vector<16xf32>
      tpu.vector_store %arg16[%swap3A_179], %swap3A_182 {strides = array<i32>} : memref<4096xf32, #tpu.memory_space<vmem>>, vector<16xf32>,
    }
    %scan3A_69 = arith.constant 32 : i32
    %add3A_70 = arith.constant 384 : i32
    %add3A_71 = arith.addi %mul3A_2, %add3A_70 : i32
    %mul3A_72 = arith.constant 32 : i32
    %mul3A_73 = arith.muli %add3A_71, %mul3A_72 : i32
    %dma_start3A_74 = tpu.memref_slice %arg4[%mul3A_73] : memref<524288xf32, #tpu.memory_space<hbm>> -> memref<4096xf32, #tpu.memory_space<hbm>>
    %dma_start3A_75 = tpu.memref_slice %arg4[%mul3A_73] : memref<524288xf32, #tpu.memory_space<hbm>> -> memref<4096xf32, #tpu.memory_space<hbm>>
    tpu.enqueue_dma source(%arg16 : memref<4096xf32, #tpu.memory_space<vmem>>) target(%dma_start3A_75 : memref<4096xf32, #tpu.memory_space<hbm>>) target_semaphore(%arg21 : memref<!tpu.dma_semaphore, #tpu.memory_space<semaphore_mem>>)
    %dma_wait3A_76 = tpu.memref_slice %arg4[%mul3A_31] : memref<524288xf32, #tpu.memory_space<hbm>> -> memref<4096xf32, #tpu.memory_space<hbm>>
    %dma_wait3A_77 = tpu.memref_slice %arg4[%mul3A_31] : memref<524288xf32, #tpu.memory_space<hbm>> -> memref<4096xf32, #tpu.memory_space<hbm>>
    tpu.wait_dma2 semaphore(%arg21 : memref<!tpu.dma_semaphore, #tpu.memory_space<semaphore_mem>>) src(%arg13 : memref<4096xf32, #tpu.memory_space<vmem>>) dst(%dma_wait3A_77 : memref<4096xf32, #tpu.memory_space<hbm>>)
    %dma_wait3A_78 = tpu.memref_slice %arg4[%mul3A_45] : memref<524288xf32, #tpu.memory_space<hbm>> -> memref<4096xf32, #tpu.memory_space<hbm>>
    %dma_wait3A_79 = tpu.memref_slice %arg4[%mul3A_45] : memref<524288xf32, #tpu.memory_space<hbm>> -> memref<4096xf32, #tpu.memory_space<hbm>>
    tpu.wait_dma2 semaphore(%arg21 : memref<!tpu.dma_semaphore, #tpu.memory_space<semaphore_mem>>) src(%arg14 : memref<4096xf32, #tpu.memory_space<vmem>>) dst(%dma_wait3A_79 : memref<4096xf32, #tpu.memory_space<hbm>>)
    %dma_wait3A_80 = tpu.memref_slice %arg4[%mul3A_59] : memref<524288xf32, #tpu.memory_space<hbm>> -> memref<4096xf32, #tpu.memory_space<hbm>>
    %dma_wait3A_81 = tpu.memref_slice %arg4[%mul3A_59] : memref<524288xf32, #tpu.memory_space<hbm>> -> memref<4096xf32, #tpu.memory_space<hbm>>
    tpu.wait_dma2 semaphore(%arg21 : memref<!tpu.dma_semaphore, #tpu.memory_space<semaphore_mem>>) src(%arg15 : memref<4096xf32, #tpu.memory_space<vmem>>) dst(%dma_wait3A_81 : memref<4096xf32, #tpu.memory_space<hbm>>)
    %dma_wait3A_82 = tpu.memref_slice %arg4[%mul3A_73] : memref<524288xf32, #tpu.memory_space<hbm>> -> memref<4096xf32, #tpu.memory_space<hbm>>
    %dma_wait3A_83 = tpu.memref_slice %arg4[%mul3A_73] : memref<524288xf32, #tpu.memory_space<hbm>> -> memref<4096xf32, #tpu.memory_space<hbm>>
    tpu.wait_dma2 semaphore(%arg21 : memref<!tpu.dma_semaphore, #tpu.memory_space<semaphore_mem>>) src(%arg16 : memref<4096xf32, #tpu.memory_space<vmem>>) dst(%dma_wait3A_83 : memref<4096xf32, #tpu.memory_space<hbm>>)
    return
  }
}

module attributes {stable_mosaic.version = 14 : i64} {
  func.func @_argmin_body(%arg0: i32, %arg1: memref<4096x32xf32, #tpu.memory_space<vmem>>, %arg2: memref<512x32xf32, #tpu.memory_space<vmem>>, %arg3: memref<1x1x4096xi32, #tpu.memory_space<vmem>>, %arg4: memref<512x128xf32, #tpu.memory_space<vmem>>, %arg5: memref<512x192xbf16, #tpu.memory_space<vmem>>, %arg6: memref<512x1xf32, #tpu.memory_space<vmem>>) attributes {dimension_semantics = [#tpu.dimension_semantics<arbitrary>], iteration_bounds = array<i64: 4>, scalar_prefetch = 0 : i64, scratch_operands = 2 : i64, tpu.core_type = #tpu.core_type<tc>, window_params = [{transform_indices = @transform_0, window_bounds = array<i64: 4096, 32>}, {pipeline_mode = #tpu.pipeline_mode<synchronous>, transform_indices = @transform_1, window_bounds = array<i64: 512, 32>}, {transform_indices = @transform_2, window_bounds = array<i64: 1, 1, 4096>}, {pipeline_mode = #tpu.pipeline_mode<synchronous>, transform_indices = @transform_3, window_bounds = array<i64: 512, 128>}]} {
    %eq3A = arith.constant 0 : i32
    %eq3A_0 = arith.cmpi eq, %arg0, %eq3A : i32
    %convert_element_type3A = arith.extui %eq3A_0 : i1 to i32
    %cond3A = arith.constant 0 : i32
    %cond3A_1 = arith.cmpi ne, %convert_element_type3A, %cond3A : i32
    scf.if %cond3A_1 {
      %get3A_23 = arith.constant 0 : index
      %get3A_24 = arith.constant 0 : index
      %get3A_25 = vector.load %arg2[%get3A_23, %get3A_24] : memref<512x32xf32, #tpu.memory_space<vmem>>, vector<512x32xf32>
      %broadcast_in_dim3A = arith.constant 0.000000e+00 : f32
      %broadcast_in_dim3A_26 = vector.broadcast %broadcast_in_dim3A : f32 to vector<512x96xf32>
      %concatenate3A_27 = tpu.concatenate %get3A_25, %broadcast_in_dim3A_26 in 1 : vector<512x32xf32>, vector<512x96xf32> -> vector<512x128xf32>
      %swap3A_28 = arith.constant 0 : index
      %swap3A_29 = arith.constant 0 : index
      %swap3A_30 = vector.load %arg4[%swap3A_28, %swap3A_29] : memref<512x128xf32, #tpu.memory_space<vmem>>, vector<512x128xf32>
      tpu.vector_store %arg4[%swap3A_28, %swap3A_29], %concatenate3A_27 {strides = array<i32>} : memref<512x128xf32, #tpu.memory_space<vmem>>, vector<512x128xf32>,
      %mul3A = arith.mulf %get3A_25, %get3A_25 : vector<512x32xf32>
      %reduce_sum3A = arith.constant dense<0.000000e+00> : vector<512xf32>
      %reduce_sum3A_31 = vector.multi_reduction <add>, %mul3A, %reduce_sum3A [1] : vector<512x32xf32> to vector<512xf32>
      %broadcast_in_dim3A_32 = vector.shape_cast %reduce_sum3A_31 : vector<512xf32> to vector<512x1xf32>
      %swap3A_33 = arith.constant 0 : index
      %swap3A_34 = arith.constant 0 : index
      %swap3A_35 = vector.load %arg6[%swap3A_33, %swap3A_34] : memref<512x1xf32, #tpu.memory_space<vmem>>, vector<512x1xf32>
      tpu.vector_store %arg6[%swap3A_33, %swap3A_34], %broadcast_in_dim3A_32 {strides = array<i32>} : memref<512x1xf32, #tpu.memory_space<vmem>>, vector<512x1xf32>,
      %mul3A_36 = arith.constant -2.000000e+00 : f32
      %mul3A_37 = vector.broadcast %mul3A_36 : f32 to vector<512x32xf32>
      %mul3A_38 = arith.mulf %mul3A_37, %get3A_25 : vector<512x32xf32>
      %convert_element_type3A_39 = arith.truncf %mul3A_38 : vector<512x32xf32> to vector<512x32xbf16>
      %convert_element_type3A_40 = arith.extf %convert_element_type3A_39 : vector<512x32xbf16> to vector<512x32xf32>
      %sub3A_41 = arith.subf %mul3A_38, %convert_element_type3A_40 : vector<512x32xf32>
      %convert_element_type3A_42 = arith.truncf %sub3A_41 : vector<512x32xf32> to vector<512x32xbf16>
      %convert_element_type3A_43 = arith.extf %convert_element_type3A_42 : vector<512x32xbf16> to vector<512x32xf32>
      %sub3A_44 = arith.subf %sub3A_41, %convert_element_type3A_43 : vector<512x32xf32>
      %convert_element_type3A_45 = arith.truncf %sub3A_44 : vector<512x32xf32> to vector<512x32xbf16>
      %concatenate3A_46 = tpu.concatenate %convert_element_type3A_39, %convert_element_type3A_39, %convert_element_type3A_42, %convert_element_type3A_42, %convert_element_type3A_39, %convert_element_type3A_45 in 1 : vector<512x32xbf16>, vector<512x32xbf16>, vector<512x32xbf16>, vector<512x32xbf16>, vector<512x32xbf16>, vector<512x32xbf16> -> vector<512x192xbf16>
      %swap3A_47 = arith.constant 0 : index
      %swap3A_48 = arith.constant 0 : index
      %swap3A_49 = vector.load %arg5[%swap3A_47, %swap3A_48] : memref<512x192xbf16, #tpu.memory_space<vmem>>, vector<512x192xbf16>
      tpu.vector_store %arg5[%swap3A_47, %swap3A_48], %concatenate3A_46 {strides = array<i32>} : memref<512x192xbf16, #tpu.memory_space<vmem>>, vector<512x192xbf16>,
    } else {
    }
    %get3A = arith.constant 0 : index
    %get3A_2 = arith.constant 0 : index
    %get3A_3 = vector.load %arg1[%get3A, %get3A_2] : memref<4096x32xf32, #tpu.memory_space<vmem>>, vector<4096x32xf32>
    %transpose3A = tpu.transpose %get3A_3, [1, 0] : vector<4096x32xf32> -> vector<32x4096xf32>
    %convert_element_type3A_4 = arith.truncf %transpose3A : vector<32x4096xf32> to vector<32x4096xbf16>
    %convert_element_type3A_5 = arith.extf %convert_element_type3A_4 : vector<32x4096xbf16> to vector<32x4096xf32>
    %sub3A = arith.subf %transpose3A, %convert_element_type3A_5 : vector<32x4096xf32>
    %convert_element_type3A_6 = arith.truncf %sub3A : vector<32x4096xf32> to vector<32x4096xbf16>
    %convert_element_type3A_7 = arith.extf %convert_element_type3A_6 : vector<32x4096xbf16> to vector<32x4096xf32>
    %sub3A_8 = arith.subf %sub3A, %convert_element_type3A_7 : vector<32x4096xf32>
    %convert_element_type3A_9 = arith.truncf %sub3A_8 : vector<32x4096xf32> to vector<32x4096xbf16>
    %concatenate3A = tpu.concatenate %convert_element_type3A_4, %convert_element_type3A_6, %convert_element_type3A_4, %convert_element_type3A_6, %convert_element_type3A_9, %convert_element_type3A_4 in 0 : vector<32x4096xbf16>, vector<32x4096xbf16>, vector<32x4096xbf16>, vector<32x4096xbf16>, vector<32x4096xbf16>, vector<32x4096xbf16> -> vector<192x4096xbf16>
    %get3A_10 = arith.constant 0 : index
    %get3A_11 = arith.constant 0 : index
    %get3A_12 = vector.load %arg5[%get3A_10, %get3A_11] : memref<512x192xbf16, #tpu.memory_space<vmem>>, vector<512x192xbf16>
    %dot_general3A = arith.constant dense<0.000000e+00> : vector<512x4096xf32>
    %dot_general3A_13 = tpu.matmul %get3A_12, %concatenate3A, %dot_general3A {dimension_numbers = #tpu.dot_dimension_numbers<[1], [0], [0], [1], [0, 0, 1, 1], [], []>, transpose_lhs_hint = false} : vector<512x192xbf16>, vector<192x4096xbf16>, vector<512x4096xf32> -> vector<512x4096xf32>
    %get3A_14 = arith.constant 0 : index
    %get3A_15 = arith.constant 0 : index
    %get3A_16 = vector.load %arg6[%get3A_14, %get3A_15] : memref<512x1xf32, #tpu.memory_space<vmem>>, vector<512x1xf32>
    %add3A = vector.broadcast %get3A_16 : vector<512x1xf32> to vector<512x4096xf32>
    %add3A_17 = arith.addf %add3A, %dot_general3A_13 : vector<512x4096xf32>
    %argmin3A = tpu.reduce_index %add3A_17 {axis = 0 : i32, kind = #tpu.reduction_kind<arg_min>} : vector<512x4096xf32> -> vector<4096xi32>
    %swap3A = arith.constant 0 : index
    %swap3A_18 = arith.constant 0 : index
    %swap3A_19 = arith.constant 0 : index
    %swap3A_20 = vector.load %arg3[%swap3A, %swap3A_18, %swap3A_19] : memref<1x1x4096xi32, #tpu.memory_space<vmem>>, vector<1x1x4096xi32>
    %swap3A_21 = vector.shape_cast %swap3A_20 : vector<1x1x4096xi32> to vector<4096xi32>
    %swap3A_22 = vector.shape_cast %argmin3A : vector<4096xi32> to vector<1x1x4096xi32>
    tpu.vector_store %arg3[%swap3A, %swap3A_18, %swap3A_19], %swap3A_22 {strides = array<i32>} : memref<1x1x4096xi32, #tpu.memory_space<vmem>>, vector<1x1x4096xi32>,
    return
  }
  func.func @transform_0(%arg0: i32) -> (i32, i32) {
    %c0_i32 = arith.constant 0 : i32
    %c0_i32_0 = arith.constant 0 : i32
    return %arg0, %c0_i32 : i32, i32
  }
  func.func @transform_1(%arg0: i32) -> (i32, i32) {
    %c0_i32 = arith.constant 0 : i32
    %c0_i32_0 = arith.constant 0 : i32
    %c0_i32_1 = arith.constant 0 : i32
    return %c0_i32, %c0_i32_0 : i32, i32
  }
  func.func @transform_2(%arg0: i32) -> (i32, i32, i32) {
    %c0_i32 = arith.constant 0 : i32
    %c0_i32_0 = arith.constant 0 : i32
    %c0_i32_1 = arith.constant 0 : i32
    return %arg0, %c0_i32, %c0_i32_0 : i32, i32, i32
  }
  func.func @transform_3(%arg0: i32) -> (i32, i32) {
    %c0_i32 = arith.constant 0 : i32
    %c0_i32_0 = arith.constant 0 : i32
    %c0_i32_1 = arith.constant 0 : i32
    return %c0_i32, %c0_i32_0 : i32, i32
  }
}

</mosaic_0001>

<sc_bundles>
// kernel: kernel.4.cloned.1.call-start
scs
__scs_entry_jumppad:
0x0: {  	(pc) =	sbr.rel $0x88, $3  }
0x1: {  	(tag) =	ssettag $0x0;
	lr =	simm.s32 $0x1  }
0x2: {  	[smem:$0x3F9F] =	sst lr;
	_ =	strace $0xD0000000  }
0x3: {  	_ = 	snop  }
0x4: {  	_ = 	snop  }
0x5: {  	_ = 	snop  }
0x6: {  	_ = 	snop  }
0x7: {  	_ = 	snop  }
__scs_overlays_trampoline_lowered:
0x8: {  	[smem:$0x3FAE] =	sst s0  }
0x9: {  	[smem:$0x3FAF] =	sst s1  }
0xa: {  	[smem:$0x3FB0] =	sst s2  }
0xb: {  	[smem:$0x3FB1] =	sst s3  }
0xc: {  	[smem:$0x3FB2] =	sst s4  }
0xd: {  	[smem:$0x3FB3] =	sst s5  }
0xe: {  	[smem:$0x3FB4] =	sst s6  }
0xf: {  	[smem:$0x3FB5] =	sst s7  }
0x10: {  	[smem:$0x3FB6] =	sst s8  }
0x11: {  	[smem:$0x3FB7] =	sst s9;
	s0 =	simm.s32 @!p0 $0x0  }
0x12: {  	s1 =	sld [smem:$0x3F9D];
	s0 =	simm.s32 @p0 $0x1  }
0x13: {  	[smem:$0x3FB8] =	sst s0;
	s0 =	simm.s32 @!p1 $0x0  }
0x14: {  	s2 =	sld [smem:$0x3F9C];
	s0 =	simm.s32 @p1 $0x1  }
0x15: {  	[smem:$0x3FB9] =	sst s0;
	s0 =	simm.s32 @!p2 $0x0  }
0x16: {  	s3 =	sld [smem:$0x3FDB];
	s0 =	simm.s32 @p2 $0x1  }
0x17: {  	s4 =	simm.s32 $0x1BF5;
	[smem:$0x3FBB] =	sst s0  }
0x18: {  	s0 =	sld [smem:$0x3F9E];
	_ =	swait.ge [sflag:s4], $0x0  }
0x19: {  	s7 =	sld [smem:$0x3F9F]  }
0x1a: {  	s8 =	sadd.s32 $0xFFFFE003, lr  }
0x1b: {  	s9 =	sadd.s32 $0xFFFFFEF7, lr;
	s5 =	simm.s32 $0xFFFFFFFF;
	p2 =	slt.u32 s8, $0xFFFFF086  }
0x1c: {  	p1 =	slt.u32 s9, $0xF7A;
	s5 =	simm.s32 @!p2 $0x0  }
0x1d: {  	s5 =	simm.s32 @p1 $0x1;
	p0 =	seq.s32 s7, s2  }
0x1e: {  	s7 =	smul.u32 @!p0 $0xF7A, s2;
	p2 =	seq.s32 @!p0 s5, $0x0  }
0x1f: {  	s9 =	smul.u32 $0xF7A, s1;
	s8 =	simm.s32 @!p0 $0x1BF5;
	p2 =	por !p2, p0  }
0x20: {  	[sflag:s8] =	ssyncset.s32 @!p0 $0xFFFFF086;
	s6 =	sadd.s32 @!p0 s3, s7;
	s7 =	simm.s32 @!p0 $0x108  }
0x21: {  	s3 =	sadd.s32 s3, s9;
	s6 =	sadd.s32 @!p0 $0x88, s6;
	s7 =	simm.s32 @p2 $0x1082  }
0x22: {  	[simem:s7], [sflag:s8] =	dma.local @!p0 [hbm:s6], $0xF7A  }
0x23: {  	s9 =	sor.u32 $0xD0000000, s2;
	s6 =	simm.s32 $0x108;
	_ =	swait.ge @!p0 [sflag:s8], $0x0  }
0x24: {  	s3 =	sadd.s32 $0x88, s3;
	s6 =	simm.s32 @!p1 $0x1082;
	[sflag:s4] =	ssyncset.s32 $0xFFFFF086  }
0x25: {  	[simem:s6], [sflag:s4] =	dma.local [hbm:s3], $0xF7A  }
0x26: {  	[smem:$0x3F9F] =	sst s1;
	(tag) =	ssettag s2;
	_ =	strace s9  }
0x27: {  	s1 =	sld [smem:$0x3FAF]  }
0x28: {  	s2 =	sld [smem:$0x3FB0]  }
0x29: {  	s4 =	sld [smem:$0x3FB2]  }
0x2a: {  	p0 =	seq.s32 s5, $0x0;
	s5 =	sld [smem:$0x3FB3]  }
0x2b: {  	s6 =	sld [smem:$0x3FB4]  }
0x2c: {  	s7 =	sld [smem:$0x3FB5]  }
0x2d: {  	s3 =	simm.s32 $0x108;
	s8 =	sld [smem:$0x3FB6]  }
0x2e: {  	s3 =	simm.s32 @!p0 $0x1082;
	s9 =	sld [smem:$0x3FB7]  }
0x2f: {  	lr =	sadd.s32 s0, s3;
	s0 =	sld [smem:$0x3FAE]  }
0x30: {  	s3 =	sld [smem:$0x3FB1]  }
0x31: {  	[smem:$0x3FBA] =	sst s10  }
0x32: {  	s10 =	sld [smem:$0x3FB8];
	_ =	sdelay $0x3  }
0x33: {  	p0 =	seq.s32 s10, $0x1;
	s10 =	sld [smem:$0x3FBA];
	_ =	sdelay $0x3  }
0x34: {  	[smem:$0x3FBA] =	sst s10  }
0x35: {  	s10 =	sld [smem:$0x3FB9];
	_ =	sdelay $0x3  }
0x36: {  	p1 =	seq.s32 s10, $0x1;
	s10 =	sld [smem:$0x3FBA];
	_ =	sdelay $0x3  }
0x37: {  	[smem:$0x3FBA] =	sst s10  }
0x38: {  	s10 =	sld [smem:$0x3FBB]  }
0x39: {  	_ = 	snop;
	(pc) =	sbr.ind lr, $3  }
0x3a: {  	_ = 	snop  }
0x3b: {  	_ = 	snop  }
0x3c: {  	p2 =	seq.s32 s10, $0x1;
	s10 =	sld [smem:$0x3FBA]  }
0x3d: {  	_ =	shalt  }
0x3e: {  	_ =	shalt  }
0x3f: {  	_ =	shalt  }
0x40: {  	_ =	shalt  }
0x41: {  	_ =	shalt  }
0x42: {  	_ =	shalt  }
0x43: {  	_ =	shalt  }
0x44: {  	_ =	shalt  }
0x45: {  	_ =	shalt  }
0x46: {  	_ =	shalt  }
0x47: {  	_ =	shalt  }
0x48: {  	_ =	shalt  }
0x49: {  	_ =	shalt  }
0x4a: {  	_ =	shalt  }
0x4b: {  	_ =	shalt  }
0x4c: {  	_ =	shalt  }
0x4d: {  	_ =	shalt  }
0x4e: {  	_ =	shalt  }
0x4f: {  	_ =	shalt  }
0x50: {  	_ =	shalt  }
0x51: {  	_ =	shalt  }
0x52: {  	_ =	shalt  }
0x53: {  	_ =	shalt  }
0x54: {  	_ =	shalt  }
0x55: {  	_ =	shalt  }
0x56: {  	_ =	shalt  }
0x57: {  	_ =	shalt  }
0x58: {  	_ =	shalt  }
0x59: {  	_ =	shalt  }
0x5a: {  	_ =	shalt  }
0x5b: {  	_ =	shalt  }
0x5c: {  	_ =	shalt  }
0x5d: {  	_ =	shalt  }
0x5e: {  	_ =	shalt  }
0x5f: {  	_ =	shalt  }
0x60: {  	_ =	shalt  }
0x61: {  	_ =	shalt  }
0x62: {  	_ =	shalt  }
0x63: {  	_ =	shalt  }
0x64: {  	_ =	shalt  }
0x65: {  	_ =	shalt  }
0x66: {  	_ =	shalt  }
0x67: {  	_ =	shalt  }
0x68: {  	_ =	shalt  }
0x69: {  	_ =	shalt  }
0x6a: {  	_ =	shalt  }
0x6b: {  	_ =	shalt  }
0x6c: {  	_ =	shalt  }
0x6d: {  	_ =	shalt  }
0x6e: {  	_ =	shalt  }
0x6f: {  	_ =	shalt  }
0x70: {  	_ =	shalt  }
0x71: {  	_ =	shalt  }
0x72: {  	_ =	shalt  }
0x73: {  	_ =	shalt  }
0x74: {  	_ =	shalt  }
0x75: {  	_ =	shalt  }
0x76: {  	_ =	shalt  }
0x77: {  	_ =	shalt  }
0x78: {  	_ =	shalt  }
0x79: {  	_ =	shalt  }
0x7a: {  	_ =	shalt  }
0x7b: {  	_ =	shalt  }
0x7c: {  	_ =	shalt  }
0x7d: {  	_ =	shalt  }
0x7e: {  	_ =	shalt  }
0x7f: {  	_ =	shalt  }
0x80: {  	_ =	shalt  }
0x81: {  	_ =	shalt  }
0x82: {  	_ =	shalt  }
0x83: {  	_ =	shalt  }
0x84: {  	_ =	shalt  }
0x85: {  	_ =	shalt  }
0x86: {  	_ =	shalt  }
0x87: {  	_ =	shalt  }
.Lfunc_end0:
.L_simem_size_0:
called_computation_lowered:
.L_overlay_start_0:
0x88: {  	s2 =	sld [smem:$0x3FD9]  }
0x89: {  	s3 =	sld [smem:$0x3FFE];
	_ =	sdelay $0x1  }
0x8a: {  	s1 =	srdreg.scid  }
0x8b: {  	s0 =	sand.u32 $0x1, s1  }
0x8c: {  	s17 =	sshll.u32 s0, $0xA;
	s2 =	sadd.s32 s3, s2  }
0x8d: {  	s2 =	sadd.s32 s2, s17  }
0x8e: {  	[smem:$0x3FC6] =	sst s2  }
0x8f: {  	_ = 	snop  }
0x90: {  	s2 =	sld [smem:$0x3FD0];
	(tm) =	ssettm $0x1  }
0x91: {  	s18 =	sld [smem:$0x3FFB];
	_ =	sdelay $0x3  }
0x92: {  	_ =	strace s18  }
0x93: {  	s3 =	sld [smem:$0x3FFC];
	_ =	sdelay $0x3  }
0x94: {  	_ =	strace s3  }
0x95: {  	s3 =	sld [smem:$0x3FFD];
	_ =	sdelay $0x3  }
0x96: {  	_ =	strace s3  }
0x97: {  	_ =	strace $0x8FFFFFFF  }
0x98: {  	s19 =	sld [smem:$0x3FDB];
	_ =	sdelay $0x1  }
0x99: {  	s4 =	simm.s32 $_scs_section_size  }
0x9a: {  	s5 =	simm.s32 $_size__tile_overlayer_lowered;
	s6 =	simm.s32 $_tile_overlayer_lowered  }
0x9b: {  	s22 =	simm.s32 $0x1BFF;
	s21 =	sshll.u32 s6, $0x1;
	s3 =	sadd.s32 s4, s19  }
0x9c: {  	s7 =	simm.s32 $0x0;
	s20 =	sshll.u32 s5, $0x1;
	s5 =	sadd.s32 s21, s3  }
0x9d: {  	[timem:s7], [sflag:s22] =	dma.local [hbm:s5], s20  }
0x9e: {  	_ =	swait.ge [sflag:s22], s20  }
0x9f: {  	s4 =	ssub.s32 $0x0, s20;
	[sflag:s22] =	ssyncset.done $0x0  }
0xa0: {  	[sflag:s22] =	ssyncadd.s32 s4;
	_ =	sdelay $0x1  }
0xa1: {  	s23 =	simm.s32 $0x1B8B  }
0xa2: {  	_ =	swait.ge [sflag:s23], $0x1  }
0xa3: {  	[sflag:s23] =	ssyncset.done $0x0  }
0xa4: {  	s25 =	simm.s32 $0x1B8E;
	s24 =	sld [smem:$0x3FFE];
	[sflag:s23] =	ssyncadd.s32 $0xFFFFFFFF  }
0xa5: {  	s26 =	simm.s32 $execute0_lowered;
	[smem:$0x3FD2] =	sst s25  }
0xa6: {  	s5 =	sshll.u32 s26, $0x1;
	_ =	strace $0x80000046;
	[dreg:$0x1] =	wrdreg $0xFFFFFFFF  }
0xa7: {  	s28 =	simm.s32 $_size_execute0_lowered;
	s3 =	sadd.s32 s3, s5;
	[dreg:$0x0] =	wrdreg $0x0  }
0xa8: {  	s5 =	sshll.u32 s28, $0x1;
	[dreg:$0x2] =	wrdreg s3  }
0xa9: {  	[dreg:$0x3] =	wrdreg s5  }
0xaa: {  	[dreg:$0x4] =	wrdreg $0xC0  }
0xab: {  	_ =	task [dreg:s7], $0x5FFFF  }
0xac: {  	[dreg:$0x1] =	wrdreg $0xFFFFFFFF  }
0xad: {  	[dreg:$0x0] =	wrdreg $0x60  }
0xae: {  	[dreg:$0x2] =	wrdreg s24  }
0xaf: {  	[dreg:$0x3] =	wrdreg s2  }
0xb0: {  	[dreg:$0x4] =	wrdreg $0x9  }
0xb1: {  	_ =	task.clear_ibuf [dreg:s7], $0x5FFFF;
	_ =	strace $0x90000046  }
0xb2: {  	s29 =	simm.s32 $0x9;
	_ =	strace $0x80000048  }
0xb3: {  	_ =	swait.ge [sflag:s29], $0x1  }
0xb4: {  	[sflag:s29] =	ssyncadd.s32 $0xFFFFFFFF  }
0xb5: {  	_ =	strace $0x90000048  }
0xb6: {  	_ =	sfence  }
0xb7: {  	s30 =	sld [smem:$0x0];
	_ =	sdelay $0x2  }
0xb8: {  	s31 =	sshll.u32 s1, $0xD;
	s1 =	sshrl.u32 s1, $0x2  }
0xb9: {  	s3 =	sand.u32 $0x4000, s31;
	s1 =	sadd.s32 s1, s30  }
0xba: {  	s0 =	sor.u32 s3, s0;
	s1 =	sshll.u32 s1, $0x11  }
0xbb: {  	s0 =	sor.u32 s1, s0  }
0xbc: {  	s0 =	sadd.s32 $0x8F2B, s0  }
0xbd: {  	[sflag:s0] =	ssyncadd.remote.s32 $0x1  }
0xbe: {  	_ =	sfence.sel $0xFFFF  }
0xbf: {  	[dreg:$0x0] =	wrdreg $0xFFFFFFFF;
	(pc) =	sbr.abs _section_cstart, $3  }
0xc0: {  	[dreg:$0x1] =	wrdreg $0xFFFFFFFF  }
0xc1: {  	_ =	task.clear_ibuf [dreg:s7], $0x2FFFF;
	_ =	strace $0x9FFFFFFF  }
0xc2: {  	(tm) =	ssettm $0x7FFFFFFF  }
0xc3: {  	_ =	shalt  }
tec
execute0_lowered:
.L_overlay_start_1:
0x0: {  	(tag) =	ssettag $0x1  }
0x1: {  	s0 =	rddreg [dreg:$0x0]  }
0x2: {  	s1 =	rddreg [dreg:$0x1];
	s2 =	simm.s32 $0x0  }
0x3: {  	s3 =	srdreg.scid;
	s5 =	stileid.u32;
	s14 =	simm.s32 $0x80  }
0x4: {  	s17 =	simm.s32 $0x100;
	s19 =	simm.s32 $0x180;
	s20 =	simm.s32 $0xC200  }
0x5: {  	s28 =	simm.s32 $0x4;
	s29 =	simm.s32 $0x13200;
	s30 =	simm.s32 $0x5  }
0x6: {  	s31 =	simm.s32 $0x0;
	[smem:$0x7FF] =	sst s2;
	s4 =	sand.u32 $0x1, s3  }
0x7: {  	s5 =	sshll.u32 s5, $0x1;
	s3 =	sadd.s32 $0xA00, s0;
	s0 =	sadd.s32 $0x2A00, s0  }
0x8: {  	_ =	strace $0x80000047;
	s6 =	ssub.s32 $0x2, s4;
	s7 =	sor.u32 s4, s5  }
0x9: {  	s21 =	sshrl.u32 s6, $0x1;
	s8 =	sshll.u32 s7, $0x9;
	s22 =	sshll.u32 s7, $0x6  }
0xa: {  	s13 =	sshll.u32 s7, $0xB;
	s12 =	ssub.s32 s6, s21;
	s9 =	sor.u32 $0x80, s8  }
0xb: {  	s4 =	sadd.s32 s0, s22;
	s10 =	sor.u32 $0x100, s8;
	s11 =	sor.u32 $0x180, s8  }
0xc: {  	s21 =	simm.s32 $0x1;
	s22 =	simm.s32 $0x10200;
	s23 =	sshrl.u32 s9, $0x3  }
0xd: {  	s24 =	sshrl.u32 s10, $0x3;
	s8 =	sshrl.u32 s11, $0x3;
	s25 =	sshll.u32 s9, $0x2  }
0xe: {  	s26 =	sshll.u32 s10, $0x2;
	s11 =	sshll.u32 s11, $0x2;
	s12 =	smax.u32 s12, $0x1  }
0xf: {  	s5 =	sadd.s32 s0, s23;
	s6 =	sadd.s32 s0, s24;
	s7 =	sadd.s32 s0, s8  }
0x10: {  	s8 =	sadd.s32 s1, s13;
	s9 =	sadd.s32 s1, s25;
	s10 =	sadd.s32 s1, s26  }
0x11: {  	s11 =	sadd.s32 s1, s11;
	s13 =	simm.s32 $0x6;
	s23 =	simm.s32 $0x2  }
0x12: {  	s24 =	simm.s32 $0x11200;
	s25 =	simm.s32 $0x3;
	s26 =	simm.s32 $0x12200  }
.LBB2_1:
0x13: {  	[tilespmem:s2], [sflag:$0x6] =	stream.linear.gather [hbm4b:s4+s2], $0x80, $0x38;
	[tilespmem:$0x14200] =	vst v63  }
0x14: {  	_ =	swait.ge [sflag:s13], $0x80  }
0x15: {  	[sflag:s13] =	ssyncset.done $0x0  }
0x16: {  	s0 =	simm.s32 $0x200;
	[sflag:s13] =	ssyncadd.s32 $0xFFFFFF80  }
0x17: {  	[tilespmem:s0], [sflag:$0x1] =	stream.indirect.gather [hbm4b:s3+s14], $0x80, s2, s14, $0xb8;
	[tilespmem:$0x14200] =	vst v63  }
0x18: {  	_ = 	snop  }
0x19: {  	[tilespmem:s14], [sflag:$0x6] =	stream.linear.gather [hbm4b:s5+s2], $0x80, $0x38;
	[tilespmem:$0x14200] =	vst v63  }
0x1a: {  	_ =	swait.ge [sflag:s13], $0x80  }
0x1b: {  	[sflag:s13] =	ssyncset.done $0x0  }
0x1c: {  	s15 =	simm.s32 $0x4200;
	[sflag:s13] =	ssyncadd.s32 $0xFFFFFF80  }
0x1d: {  	[tilespmem:s15], [sflag:$0x2] =	stream.indirect.gather [hbm4b:s3+s14], $0x80, s14, s14, $0xb8;
	[tilespmem:$0x14200] =	vst v63  }
0x1e: {  	_ = 	snop  }
0x1f: {  	[tilespmem:s17], [sflag:$0x6] =	stream.linear.gather [hbm4b:s6+s2], $0x80, $0x38;
	[tilespmem:$0x14200] =	vst v63  }
0x20: {  	_ =	swait.ge [sflag:s13], $0x80  }
0x21: {  	[sflag:s13] =	ssyncset.done $0x0  }
0x22: {  	s16 =	simm.s32 $0x8200;
	[sflag:s13] =	ssyncadd.s32 $0xFFFFFF80  }
0x23: {  	[tilespmem:s16], [sflag:$0x3] =	stream.indirect.gather [hbm4b:s3+s14], $0x80, s17, s14, $0xb8;
	[tilespmem:$0x14200] =	vst v63  }
0x24: {  	_ = 	snop  }
0x25: {  	[tilespmem:s19], [sflag:$0x6] =	stream.linear.gather [hbm4b:s7+s2], $0x80, $0x38;
	[tilespmem:$0x14200] =	vst v63  }
0x26: {  	_ =	swait.ge [sflag:s13], $0x80  }
0x27: {  	[sflag:s13] =	ssyncset.done $0x0  }
0x28: {  	[sflag:s13] =	ssyncadd.s32 $0xFFFFFF80  }
0x29: {  	[tilespmem:s20], [sflag:$0x4] =	stream.indirect.gather [hbm4b:s3+s14], $0x80, s19, s14, $0xb8;
	[tilespmem:$0x14200] =	vst v63  }
0x2a: {  	_ =	swait.ge [sflag:s21], $0x4000  }
0x2b: {  	[sflag:s21] =	ssyncset.done $0x0  }
0x2c: {  	s0 =	simm.s32 $0x300;
	[sflag:s21] =	ssyncadd.s32 $0xFFFFC000  }
0x2d: {  	v0 =	vld [tilespmem:s0+$0xFFFFFF00];
	_ =	sdelay $0x3  }
0x2e: {  	s1 =	simm.s32 $0x10240  }
0x2f: {  	[tilespmem:s1+$0xFFFFFFC0] =	vst v0  }
0x30: {  	v0 =	vld [tilespmem:s0+$0xFFFFFF10];
	_ =	sdelay $0x4  }
0x31: {  	[tilespmem:s1+$0xFFFFFFD0] =	vst v0  }
0x32: {  	v0 =	vld [tilespmem:s0+$0xFFFFFF80];
	_ =	sdelay $0x4  }
0x33: {  	[tilespmem:s1+$0xFFFFFFE0] =	vst v0  }
0x34: {  	v0 =	vld [tilespmem:s0+$0xFFFFFF90];
	_ =	sdelay $0x2  }
0x35: {  	s15 =	simm.s32 $0x20  }
0x36: {  	s15 =	sor.u32 $0x30, s15  }
0x37: {  	[tilespmem:s15+$0x10200] =	vst v0  }
0x38: {  	v0 =	vld [tilespmem:s0+$0x0];
	_ =	sdelay $0x4  }
0x39: {  	[tilespmem:s1+$0x0] =	vst v0  }
0x3a: {  	v0 =	vld [tilespmem:s0+$0x10];
	_ =	sdelay $0x2  }
0x3b: {  	s18 =	simm.s32 $0x40  }
0x3c: {  	s15 =	sor.u32 $0x50, s18  }
0x3d: {  	[tilespmem:s15+$0x10200] =	vst v0  }
0x3e: {  	v0 =	vld [tilespmem:s0+$0x80];
	_ =	sdelay $0x4  }
0x3f: {  	[tilespmem:s1+$0x20] =	vst v0  }
0x40: {  	v0 =	vld [tilespmem:s0+$0x90];
	_ =	sdelay $0x2  }
0x41: {  	s16 =	simm.s32 $0x60  }
0x42: {  	s16 =	sor.u32 $0x70, s16;
	s15 =	simm.s32 $0xE0  }
.LBB2_2:
0x43: {  	p0 =	sne.s32 s15, $0xFE0;
	[tilespmem:s16+$0x10200] =	vst v0;
	s1 =	sadd.s32 $0x80, s1;
	s0 =	sadd.s32 $0x200, s0  }
0x44: {  	s16 =	smov.u32 s15;
	s15 =	sadd.s32 $0x80, s15;
	v0 =	vld [tilespmem:s0+$0xFFFFFF00];
	_ =	sdelay $0x4  }
0x45: {  	[tilespmem:s1+$0xFFFFFFC0] =	vst v0  }
0x46: {  	v0 =	vld [tilespmem:s0+$0xFFFFFF10];
	_ =	sdelay $0x4  }
0x47: {  	[tilespmem:s1+$0xFFFFFFD0] =	vst v0  }
0x48: {  	v0 =	vld [tilespmem:s0+$0xFFFFFF80];
	_ =	sdelay $0x4  }
0x49: {  	[tilespmem:s1+$0xFFFFFFE0] =	vst v0  }
0x4a: {  	v0 =	vld [tilespmem:s0+$0xFFFFFF90];
	_ =	sdelay $0x2  }
0x4b: {  	s18 =	sadd.s32 $0xFFFFFFC0, s16  }
0x4c: {  	s18 =	sor.u32 $0x30, s18  }
0x4d: {  	[tilespmem:s18+$0x10200] =	vst v0  }
0x4e: {  	v0 =	vld [tilespmem:s0+$0x0];
	_ =	sdelay $0x4  }
0x4f: {  	[tilespmem:s1+$0x0] =	vst v0  }
0x50: {  	v0 =	vld [tilespmem:s0+$0x10];
	_ =	sdelay $0x2  }
0x51: {  	s18 =	sadd.s32 $0xFFFFFFE0, s16  }
0x52: {  	s18 =	sor.u32 $0x50, s18  }
0x53: {  	[tilespmem:s18+$0x10200] =	vst v0  }
0x54: {  	v0 =	vld [tilespmem:s0+$0x80];
	_ =	sdelay $0x4  }
0x55: {  	[tilespmem:s1+$0x20] =	vst v0  }
.Ltmp0:
0x56: {  	v0 =	vld [tilespmem:s0+$0x90];
	(pc) =	sbr.rel @p0 .LBB2_2-.Ltmp0, $2  }
0x57: {  	_ =	sdelay $0x2  }
0x58: {  	s16 =	sor.u32 $0x70, s16  }
0x59: {  	[tilespmem:s16+$0x10200] =	vst v0  }
0x5a: {  	[hbm4b:s8+s2] =	stream.linear.scatter [tilespmem:s22], [sflag:$0x5], $0x1000, $0x38;
	[tilespmem:$0x14200] =	vst v63  }
0x5b: {  	_ =	swait.ge [sflag:s23], $0x4000  }
0x5c: {  	[sflag:s23] =	ssyncset.done $0x0  }
0x5d: {  	s0 =	simm.s32 $0x4300;
	[sflag:s23] =	ssyncadd.s32 $0xFFFFC000  }
0x5e: {  	v0 =	vld [tilespmem:s0+$0xFFFFFF00];
	_ =	sdelay $0x3  }
0x5f: {  	s1 =	simm.s32 $0x11240  }
0x60: {  	[tilespmem:s1+$0xFFFFFFC0] =	vst v0  }
0x61: {  	v0 =	vld [tilespmem:s0+$0xFFFFFF10];
	_ =	sdelay $0x4  }
0x62: {  	[tilespmem:s1+$0xFFFFFFD0] =	vst v0  }
0x63: {  	v0 =	vld [tilespmem:s0+$0xFFFFFF80];
	_ =	sdelay $0x4  }
0x64: {  	[tilespmem:s1+$0xFFFFFFE0] =	vst v0  }
0x65: {  	v0 =	vld [tilespmem:s0+$0xFFFFFF90];
	_ =	sdelay $0x2  }
0x66: {  	s15 =	simm.s32 $0x20  }
0x67: {  	s15 =	sor.u32 $0x30, s15  }
0x68: {  	[tilespmem:s15+$0x11200] =	vst v0  }
0x69: {  	v0 =	vld [tilespmem:s0+$0x0];
	_ =	sdelay $0x4  }
0x6a: {  	[tilespmem:s1+$0x0] =	vst v0  }
0x6b: {  	v0 =	vld [tilespmem:s0+$0x10];
	_ =	sdelay $0x2  }
0x6c: {  	s16 =	simm.s32 $0x40  }
0x6d: {  	s15 =	sor.u32 $0x50, s16  }
0x6e: {  	[tilespmem:s15+$0x11200] =	vst v0  }
0x6f: {  	v0 =	vld [tilespmem:s0+$0x80];
	_ =	sdelay $0x4  }
0x70: {  	[tilespmem:s1+$0x20] =	vst v0  }
0x71: {  	v0 =	vld [tilespmem:s0+$0x90];
	_ =	sdelay $0x2  }
0x72: {  	s18 =	simm.s32 $0x60  }
0x73: {  	s16 =	sor.u32 $0x70, s18;
	s15 =	simm.s32 $0xE0  }
.LBB2_4:
0x74: {  	p0 =	sne.s32 s15, $0xFE0;
	[tilespmem:s16+$0x11200] =	vst v0;
	s1 =	sadd.s32 $0x80, s1;
	s0 =	sadd.s32 $0x200, s0  }
0x75: {  	s16 =	smov.u32 s15;
	s15 =	sadd.s32 $0x80, s15;
	v0 =	vld [tilespmem:s0+$0xFFFFFF00];
	_ =	sdelay $0x4  }
0x76: {  	[tilespmem:s1+$0xFFFFFFC0] =	vst v0  }
0x77: {  	v0 =	vld [tilespmem:s0+$0xFFFFFF10];
	_ =	sdelay $0x4  }
0x78: {  	[tilespmem:s1+$0xFFFFFFD0] =	vst v0  }
0x79: {  	v0 =	vld [tilespmem:s0+$0xFFFFFF80];
	_ =	sdelay $0x4  }
0x7a: {  	[tilespmem:s1+$0xFFFFFFE0] =	vst v0  }
0x7b: {  	v0 =	vld [tilespmem:s0+$0xFFFFFF90];
	_ =	sdelay $0x2  }
0x7c: {  	s18 =	sadd.s32 $0xFFFFFFC0, s16  }
0x7d: {  	s18 =	sor.u32 $0x30, s18  }
0x7e: {  	[tilespmem:s18+$0x11200] =	vst v0  }
0x7f: {  	v0 =	vld [tilespmem:s0+$0x0];
	_ =	sdelay $0x4  }
0x80: {  	[tilespmem:s1+$0x0] =	vst v0  }
0x81: {  	v0 =	vld [tilespmem:s0+$0x10];
	_ =	sdelay $0x2  }
0x82: {  	s18 =	sadd.s32 $0xFFFFFFE0, s16  }
0x83: {  	s18 =	sor.u32 $0x50, s18  }
0x84: {  	[tilespmem:s18+$0x11200] =	vst v0  }
0x85: {  	v0 =	vld [tilespmem:s0+$0x80];
	_ =	sdelay $0x4  }
0x86: {  	[tilespmem:s1+$0x20] =	vst v0  }
.Ltmp1:
0x87: {  	v0 =	vld [tilespmem:s0+$0x90];
	(pc) =	sbr.rel @p0 .LBB2_4-.Ltmp1, $2  }
0x88: {  	_ =	sdelay $0x2  }
0x89: {  	s16 =	sor.u32 $0x70, s16  }
0x8a: {  	[tilespmem:s16+$0x11200] =	vst v0  }
0x8b: {  	[hbm4b:s9+s2] =	stream.linear.scatter [tilespmem:s24], [sflag:$0x5], $0x1000, $0x38;
	[tilespmem:$0x14200] =	vst v63  }
0x8c: {  	_ =	swait.ge [sflag:s25], $0x4000  }
0x8d: {  	[sflag:s25] =	ssyncset.done $0x0  }
0x8e: {  	s0 =	simm.s32 $0x8300;
	[sflag:s25] =	ssyncadd.s32 $0xFFFFC000  }
0x8f: {  	v0 =	vld [tilespmem:s0+$0xFFFFFF00];
	_ =	sdelay $0x3  }
0x90: {  	s1 =	simm.s32 $0x12240  }
0x91: {  	[tilespmem:s1+$0xFFFFFFC0] =	vst v0  }
0x92: {  	v0 =	vld [tilespmem:s0+$0xFFFFFF10];
	_ =	sdelay $0x4  }
0x93: {  	[tilespmem:s1+$0xFFFFFFD0] =	vst v0  }
0x94: {  	v0 =	vld [tilespmem:s0+$0xFFFFFF80];
	_ =	sdelay $0x4  }
0x95: {  	[tilespmem:s1+$0xFFFFFFE0] =	vst v0  }
0x96: {  	v0 =	vld [tilespmem:s0+$0xFFFFFF90];
	_ =	sdelay $0x2  }
0x97: {  	s15 =	simm.s32 $0x20  }
0x98: {  	s15 =	sor.u32 $0x30, s15  }
0x99: {  	[tilespmem:s15+$0x12200] =	vst v0  }
0x9a: {  	v0 =	vld [tilespmem:s0+$0x0];
	_ =	sdelay $0x4  }
0x9b: {  	[tilespmem:s1+$0x0] =	vst v0  }
0x9c: {  	v0 =	vld [tilespmem:s0+$0x10];
	_ =	sdelay $0x2  }
0x9d: {  	s16 =	simm.s32 $0x40  }
0x9e: {  	s15 =	sor.u32 $0x50, s16  }
0x9f: {  	[tilespmem:s15+$0x12200] =	vst v0  }
0xa0: {  	v0 =	vld [tilespmem:s0+$0x80];
	_ =	sdelay $0x4  }
0xa1: {  	[tilespmem:s1+$0x20] =	vst v0  }
0xa2: {  	v0 =	vld [tilespmem:s0+$0x90];
	_ =	sdelay $0x2  }
0xa3: {  	s18 =	simm.s32 $0x60  }
0xa4: {  	s16 =	sor.u32 $0x70, s18;
	s15 =	simm.s32 $0xE0  }
.LBB2_6:
0xa5: {  	p0 =	sne.s32 s15, $0xFE0;
	[tilespmem:s16+$0x12200] =	vst v0;
	s1 =	sadd.s32 $0x80, s1;
	s0 =	sadd.s32 $0x200, s0  }
0xa6: {  	s16 =	smov.u32 s15;
	s15 =	sadd.s32 $0x80, s15;
	v0 =	vld [tilespmem:s0+$0xFFFFFF00];
	_ =	sdelay $0x4  }
0xa7: {  	[tilespmem:s1+$0xFFFFFFC0] =	vst v0  }
0xa8: {  	v0 =	vld [tilespmem:s0+$0xFFFFFF10];
	_ =	sdelay $0x4  }
0xa9: {  	[tilespmem:s1+$0xFFFFFFD0] =	vst v0  }
0xaa: {  	v0 =	vld [tilespmem:s0+$0xFFFFFF80];
	_ =	sdelay $0x4  }
0xab: {  	[tilespmem:s1+$0xFFFFFFE0] =	vst v0  }
0xac: {  	v0 =	vld [tilespmem:s0+$0xFFFFFF90];
	_ =	sdelay $0x2  }
0xad: {  	s18 =	sadd.s32 $0xFFFFFFC0, s16  }
0xae: {  	s18 =	sor.u32 $0x30, s18  }
0xaf: {  	[tilespmem:s18+$0x12200] =	vst v0  }
0xb0: {  	v0 =	vld [tilespmem:s0+$0x0];
	_ =	sdelay $0x4  }
0xb1: {  	[tilespmem:s1+$0x0] =	vst v0  }
0xb2: {  	v0 =	vld [tilespmem:s0+$0x10];
	_ =	sdelay $0x2  }
0xb3: {  	s18 =	sadd.s32 $0xFFFFFFE0, s16  }
0xb4: {  	s18 =	sor.u32 $0x50, s18  }
0xb5: {  	[tilespmem:s18+$0x12200] =	vst v0  }
0xb6: {  	v0 =	vld [tilespmem:s0+$0x80];
	_ =	sdelay $0x4  }
0xb7: {  	[tilespmem:s1+$0x20] =	vst v0  }
.Ltmp2:
0xb8: {  	v0 =	vld [tilespmem:s0+$0x90];
	(pc) =	sbr.rel @p0 .LBB2_6-.Ltmp2, $2  }
0xb9: {  	_ =	sdelay $0x2  }
0xba: {  	s16 =	sor.u32 $0x70, s16  }
0xbb: {  	[tilespmem:s16+$0x12200] =	vst v0  }
0xbc: {  	[hbm4b:s10+s2] =	stream.linear.scatter [tilespmem:s26], [sflag:$0x5], $0x1000, $0x38;
	[tilespmem:$0x14200] =	vst v63  }
0xbd: {  	_ =	swait.ge [sflag:s28], $0x4000  }
0xbe: {  	[sflag:s28] =	ssyncset.done $0x0  }
0xbf: {  	s0 =	simm.s32 $0xC300;
	[sflag:s28] =	ssyncadd.s32 $0xFFFFC000  }
0xc0: {  	v0 =	vld [tilespmem:s0+$0xFFFFFF00];
	_ =	sdelay $0x3  }
0xc1: {  	s1 =	simm.s32 $0x13240  }
0xc2: {  	[tilespmem:s1+$0xFFFFFFC0] =	vst v0  }
0xc3: {  	v0 =	vld [tilespmem:s0+$0xFFFFFF10];
	_ =	sdelay $0x4  }
0xc4: {  	[tilespmem:s1+$0xFFFFFFD0] =	vst v0  }
0xc5: {  	v0 =	vld [tilespmem:s0+$0xFFFFFF80];
	_ =	sdelay $0x4  }
0xc6: {  	[tilespmem:s1+$0xFFFFFFE0] =	vst v0  }
0xc7: {  	v0 =	vld [tilespmem:s0+$0xFFFFFF90];
	_ =	sdelay $0x2  }
0xc8: {  	s15 =	simm.s32 $0x20  }
0xc9: {  	s15 =	sor.u32 $0x30, s15  }
0xca: {  	[tilespmem:s15+$0x13200] =	vst v0  }
0xcb: {  	v0 =	vld [tilespmem:s0+$0x0];
	_ =	sdelay $0x4  }
0xcc: {  	[tilespmem:s1+$0x0] =	vst v0  }
0xcd: {  	v0 =	vld [tilespmem:s0+$0x10];
	_ =	sdelay $0x2  }
0xce: {  	s16 =	simm.s32 $0x40  }
0xcf: {  	s15 =	sor.u32 $0x50, s16  }
0xd0: {  	[tilespmem:s15+$0x13200] =	vst v0  }
0xd1: {  	v0 =	vld [tilespmem:s0+$0x80];
	_ =	sdelay $0x4  }
0xd2: {  	[tilespmem:s1+$0x20] =	vst v0  }
0xd3: {  	v0 =	vld [tilespmem:s0+$0x90];
	_ =	sdelay $0x2  }
0xd4: {  	s18 =	simm.s32 $0x60  }
0xd5: {  	s16 =	sor.u32 $0x70, s18;
	s15 =	simm.s32 $0xE0  }
.LBB2_8:
0xd6: {  	p0 =	sne.s32 s15, $0xFE0;
	[tilespmem:s16+$0x13200] =	vst v0;
	s1 =	sadd.s32 $0x80, s1;
	s0 =	sadd.s32 $0x200, s0  }
0xd7: {  	s16 =	smov.u32 s15;
	s15 =	sadd.s32 $0x80, s15;
	v0 =	vld [tilespmem:s0+$0xFFFFFF00];
	_ =	sdelay $0x4  }
0xd8: {  	[tilespmem:s1+$0xFFFFFFC0] =	vst v0  }
0xd9: {  	v0 =	vld [tilespmem:s0+$0xFFFFFF10];
	_ =	sdelay $0x4  }
0xda: {  	[tilespmem:s1+$0xFFFFFFD0] =	vst v0  }
0xdb: {  	v0 =	vld [tilespmem:s0+$0xFFFFFF80];
	_ =	sdelay $0x4  }
0xdc: {  	[tilespmem:s1+$0xFFFFFFE0] =	vst v0  }
0xdd: {  	v0 =	vld [tilespmem:s0+$0xFFFFFF90];
	_ =	sdelay $0x2  }
0xde: {  	s18 =	sadd.s32 $0xFFFFFFC0, s16  }
0xdf: {  	s18 =	sor.u32 $0x30, s18  }
0xe0: {  	[tilespmem:s18+$0x13200] =	vst v0  }
0xe1: {  	v0 =	vld [tilespmem:s0+$0x0];
	_ =	sdelay $0x4  }
0xe2: {  	[tilespmem:s1+$0x0] =	vst v0  }
0xe3: {  	v0 =	vld [tilespmem:s0+$0x10];
	_ =	sdelay $0x2  }
0xe4: {  	s18 =	sadd.s32 $0xFFFFFFE0, s16  }
0xe5: {  	s18 =	sor.u32 $0x50, s18  }
0xe6: {  	[tilespmem:s18+$0x13200] =	vst v0  }
0xe7: {  	v0 =	vld [tilespmem:s0+$0x80];
	_ =	sdelay $0x4  }
0xe8: {  	[tilespmem:s1+$0x20] =	vst v0  }
.Ltmp3:
0xe9: {  	v0 =	vld [tilespmem:s0+$0x90];
	(pc) =	sbr.rel @p0 .LBB2_8-.Ltmp3, $2  }
0xea: {  	_ =	sdelay $0x2  }
0xeb: {  	s16 =	sor.u32 $0x70, s16  }
0xec: {  	[tilespmem:s16+$0x13200] =	vst v0  }
0xed: {  	[hbm4b:s11+s2] =	stream.linear.scatter [tilespmem:s29], [sflag:$0x5], $0x1000, $0x38;
	[tilespmem:$0x14200] =	vst v63  }
0xee: {  	_ =	swait.ge [sflag:s30], $0x1000  }
0xef: {  	[sflag:s30] =	ssyncset.done $0x0  }
0xf0: {  	[sflag:s30] =	ssyncadd.s32 $0xFFFFF000  }
0xf1: {  	_ =	swait.ge [sflag:s30], $0x1000  }
0xf2: {  	[sflag:s30] =	ssyncset.done $0x0  }
0xf3: {  	s31 =	sadd.s32 $0x1, s31;
	[sflag:s30] =	ssyncadd.s32 $0xFFFFF000  }
0xf4: {  	p0 =	sne.s32 s31, s12;
	_ =	swait.ge [sflag:s30], $0x1000  }
.Ltmp4:
0xf5: {  	[sflag:s30] =	ssyncset.done $0x0;
	(pc) =	sbr.rel @p0 .LBB2_1-.Ltmp4, $4  }
0xf6: {  	[sflag:s30] =	ssyncadd.s32 $0xFFFFF000  }
0xf7: {  	_ =	swait.ge [sflag:s30], $0x1000  }
0xf8: {  	[sflag:s30] =	ssyncset.done $0x0  }
0xf9: {  	[sflag:s30] =	ssyncadd.s32 $0xFFFFF000  }
0xfa: {  	_ =	sfence.sel $0x180000  }
0xfb: {  	[bflag:$0x0] =	sbarrier.arrive $0xFFFF  }
0xfc: {  	_ =	strace $0x90000047  }
0xfd: {  	s0 =	stileid.u32;
	[bflag:$0x2] =	sbarrier.arrive $0xFFFF  }
0xfe: {  	p0 =	sne.s32 s0, $0x0;
	s0 =	rddreg [dreg:$0x2]  }
0xff: {  	s0 =	sadd.s32 @!p0 $0x100000, s0  }
0x100: {  	[sflag:s0] =	ssyncadd.tile.s32 @!p0 $0x1;
	_ =	shalt  }
.Lfunc_end2:
_tile_overlayer_lowered:
.L_overlay_start_2:
0x101: {  	(tag) =	ssettag $0x2  }
0x102: {  	s0 =	rddreg [dreg:$0x0];
	s2 =	stileid.u32  }
0x103: {  	s1 =	rddreg [dreg:$0x1];
	p0 =	sne.s32 s2, $0x0  }
0x104: {  	s3 =	rddreg [dreg:$0x2];
	[bflag:$0x3] =	sbarrier.arrive $0xFFFF;
	s2 =	simm.s32 @!p0 $0x1C06  }
0x105: {  	[timem:s3], [sflag:s2] =	dma.local @!p0 [hbm:s0], s1  }
0x106: {  	s0 =	simm.s32 @!p0 $0x6  }
0x107: {  	_ =	swait.ge @!p0 [sflag:s0], s1  }
0x108: {  	s1 =	ssub.s32 @!p0 $0x0, s1;
	[sflag:s0] =	ssyncset.done @!p0 $0x0  }
0x109: {  	[sflag:s0] =	ssyncadd.s32 @!p0 s1  }
0x10a: {  	[bflag:$0x3] =	sbarrier.arrive $0xFFFF  }
0x10b: {  	_ =	shalt  }

</sc_bundles>
